<compile_context>
chip_gen: v7x
topology: tpu7x:2x2x1
jax: 0.10.2.dev20260603
libtpu: 0.0.44.dev20260713+nightly
codegen_flags: <defaults>
</compile_context>

<pallas_src>
import jax
import jax.numpy as jnp
from jax import lax
from jax.experimental import pallas as pl
from jax.experimental.pallas import tpu as pltpu
from jax.experimental.pallas import tpu_sc as plsc

NV = 100000
NF = 200000
NO = NV + NF
L = 16
NC, NS = 2, 16
NW = NC * NS

CH = 128
FW = 6272
NCH = FW // CH
NSTEP = FW // L
VB = 3136
LAG = 8

_EDGE = ((0, 1), (1, 2), (2, 0))

_MESH = plsc.VectorSubcoreMesh(
    core_axis_name="c", subcore_axis_name="s",
    num_cores=NC, num_subcores=NS)
_PARAMS = pltpu.CompilerParams(
    needs_layout_passes=False, use_tc_tiling_on_sc=False)


def _wid():
    return lax.axis_index("s") * NC + lax.axis_index("c")


def _faces_body(faces_hbm, ofaces_hbm, c0, c1, c2, ibuf, sem):
    fbase = jnp.minimum(_wid() * FW, NF - FW)
    iota = lax.iota(jnp.int32, L)

    cols = (c0, c1, c2)
    for c in range(3):
        pltpu.sync_copy(faces_hbm.at[pl.ds(c * NF + fbase, FW)], cols[c])

    def _itail(i, _):
        ibuf[pl.ds(i * L, L)] = NV + fbase + iota + i * L
        return 0

    lax.fori_loop(0, NSTEP, _itail, 0)

    for b, (p0, p1) in enumerate(_EDGE):
        base = b * NF + fbase
        pltpu.sync_copy(cols[p0], ofaces_hbm.at[pl.ds(base, FW)])
        pltpu.sync_copy(cols[p1], ofaces_hbm.at[pl.ds(3 * NF + base, FW)])
        pltpu.sync_copy(ibuf, ofaces_hbm.at[pl.ds(6 * NF + base, FW)])


NCHUNK = 10
CS = 20096
SB = 2512
NSB = CS // SB


def _centroid_body(verts_hbm, faces_hbm, overts_hbm,
                   tbl, ca0, cb0, cc0, ca1, cb1, cc1, g0, g1,
                   semc, semo):
    wid = _wid()
    vbase = jnp.minimum(wid * VB, NV - VB)

    for d in range(3):
        pltpu.sync_copy(verts_hbm.at[pl.ds(d * NV + vbase, VB)],
                        g0.at[pl.ds(0, VB)])
        pltpu.sync_copy(g0.at[pl.ds(0, VB)],
                        overts_hbm.at[pl.ds(d * NO + vbase, VB)])

    d = jnp.minimum(wid // NCHUNK, 2)
    k = wid % NCHUNK
    base = jnp.minimum(k * CS, NF - CS)

    pltpu.sync_copy(verts_hbm.at[pl.ds(d * NV, NV)], tbl)

    csets = ((ca0, cb0, cc0), (ca1, cb1, cc1))
    gset = (g0, g1)

    def _fire_cols(sb, cset):
        sbase = base + sb * SB
        for c in range(3):
            pltpu.async_copy(faces_hbm.at[pl.ds(c * NF + sbase, SB)],
                             cset[c], semc)

    def _wait_cols(cset):
        for c in range(3):
            pltpu.make_async_copy(faces_hbm.at[pl.ds(0, SB)],
                                  cset[c], semc).wait()

    _fire_cols(0, csets[0])
    for sb in range(NSB):
        cur = sb % 2
        ca, cb, cc = csets[cur]
        g = gset[cur]
        if sb + 1 < NSB:
            _fire_cols(sb + 1, csets[1 - cur])
        _wait_cols(csets[cur])
        if sb >= 2:
            pltpu.make_async_copy(g.at[pl.ds(0, SB)],
                                  overts_hbm.at[pl.ds(0, SB)], semo).wait()

        def _cen(i, _, ca=ca, cb=cb, cc=cc, g=g):
            s = pl.ds(i * L, L)
            a = plsc.load_gather(tbl, [ca[s]])
            b = plsc.load_gather(tbl, [cb[s]])
            e = plsc.load_gather(tbl, [cc[s]])
            g[s] = (a + b + e) / 3.0
            return 0

        lax.fori_loop(0, SB // L, _cen, 0)
        sbase = base + sb * SB
        pltpu.async_copy(g.at[pl.ds(0, SB)],
                         overts_hbm.at[pl.ds(d * NO + NV + sbase, SB)], semo)
    for _ in range(2):
        pltpu.make_async_copy(g0.at[pl.ds(0, SB)],
                              overts_hbm.at[pl.ds(0, SB)], semo).wait()


@jax.jit
def _upsample(verts_col, faces_col):
    faces_fn = pl.kernel(
        _faces_body,
        out_type=jax.ShapeDtypeStruct((3 * NF * 3,), jnp.int32),
        mesh=_MESH,
        compiler_params=_PARAMS,
        scratch_types=[
            pltpu.VMEM((FW,), jnp.int32),
            pltpu.VMEM((FW,), jnp.int32),
            pltpu.VMEM((FW,), jnp.int32),
            pltpu.VMEM((FW,), jnp.int32),
            pltpu.SemaphoreType.DMA,
        ],
    )
    cen_fn = pl.kernel(
        _centroid_body,
        out_type=jax.ShapeDtypeStruct((3 * NO,), jnp.float32),
        mesh=_MESH,
        compiler_params=_PARAMS,
        scratch_types=[
            pltpu.VMEM((NV,), jnp.float32),
            pltpu.VMEM((SB,), jnp.int32),
            pltpu.VMEM((SB,), jnp.int32),
            pltpu.VMEM((SB,), jnp.int32),
            pltpu.VMEM((SB,), jnp.int32),
            pltpu.VMEM((SB,), jnp.int32),
            pltpu.VMEM((SB,), jnp.int32),
            pltpu.VMEM((VB,), jnp.float32),
            pltpu.VMEM((SB,), jnp.float32),
            pltpu.SemaphoreType.DMA,
            pltpu.SemaphoreType.DMA,
        ],
    )
    ofaces_col = faces_fn(faces_col)
    overts_col = cen_fn(verts_col, faces_col)
    ofaces = ofaces_col.reshape(3, 3 * NF).T
    overts = overts_col.reshape(3, NO).T
    return overts, ofaces


def kernel(vertices, faces):
    return _upsample(vertices.T.reshape(-1),
                     faces.astype(jnp.int32).T.reshape(-1))

# --- scband reference (transcript-rebuilt; emitter-appended) ---
"""Pipeline reference for scband-up-sample-layer-47682726920838 (READ-ONLY COPY).

The authoritative reference and input builder live on the scoring server;
editing this copy changes nothing except your own understanding.
"""

import jax, jax.numpy as jnp
import numpy as np


def setup_inputs(seed: int = 0) -> dict:
    key = jax.random.key(seed)
    k1, k2 = jax.random.split(key)
    vertices = jax.random.normal(k1, (100000, 3), dtype=jnp.float32)
    faces = jax.random.randint(k2, (200000, 3), 0, 100000, dtype=jnp.int64)
    return {"vertices": vertices, "faces": faces}


def reference(vertices, faces):
    # new vertex at the centroid of each face
    new_verts = jnp.mean(vertices[faces], axis=-2)
    # three new faces per original face: each edge paired with the centroid index
    new_idx_head = jnp.concatenate(
        [faces[..., jnp.array([0, 1])],
         faces[..., jnp.array([1, 2])],
         faces[..., jnp.array([2, 0])]], axis=0)
    n_v = vertices.shape[-2]
    n_f = faces.shape[-2]
    new_idx_tail = jnp.tile(jnp.arange(n_v, n_v + n_f), 3)
    new_faces = jnp.concatenate([new_idx_head, new_idx_tail[:, None]], axis=-1)
    new_verts = jnp.concatenate([vertices, new_verts], axis=-2)
    return (new_verts, new_faces)

if __name__ == "__main__":
    import jax
    _d = setup_inputs()
    print(jax.jit(kernel)(*tuple(_d.values())))

</pallas_src>

<mosaic_0001>
#map = affine_map<(d0, d1) -> (0)>
module attributes {stable_mosaic.version = 14 : i64} {
  func.func @_centroid_body(%arg0: i32, %arg1: i32, %arg2: memref<300000xf32, #tpu.memory_space<hbm>>, %arg3: memref<600000xi32, #tpu.memory_space<hbm>>, %arg4: memref<900000xf32, #tpu.memory_space<hbm>>, %arg5: memref<100000xf32, #tpu.memory_space<vmem>>, %arg6: memref<2512xi32, #tpu.memory_space<vmem>>, %arg7: memref<2512xi32, #tpu.memory_space<vmem>>, %arg8: memref<2512xi32, #tpu.memory_space<vmem>>, %arg9: memref<2512xi32, #tpu.memory_space<vmem>>, %arg10: memref<2512xi32, #tpu.memory_space<vmem>>, %arg11: memref<2512xi32, #tpu.memory_space<vmem>>, %arg12: memref<3136xf32, #tpu.memory_space<vmem>>, %arg13: memref<2512xf32, #tpu.memory_space<vmem>>, %arg14: memref<!tpu.dma_semaphore, #tpu.memory_space<semaphore_mem>>, %arg15: memref<!tpu.dma_semaphore, #tpu.memory_space<semaphore_mem>>) attributes {dimension_semantics = [#tpu.dimension_semantics<core_parallel>, #tpu.dimension_semantics<subcore_parallel>], iteration_bounds = array<i64: 2, 16>, scalar_prefetch = 0 : i64, scratch_operands = 11 : i64, tpu.core_type = #tpu.core_type<sc_vector_subcore>, window_params = [{transform_indices = #map}, {transform_indices = #map}, {transform_indices = #map}]} {
    %mul3A = arith.constant 2 : i32
    %mul3A_0 = arith.muli %arg1, %mul3A : i32
    %add3A = arith.addi %mul3A_0, %arg0 : i32
    %mul3A_1 = arith.constant 3136 : i32
    %mul3A_2 = arith.muli %add3A, %mul3A_1 : i32
    %min3A = arith.constant 96864 : i32
    %min3A_3 = arith.minsi %mul3A_2, %min3A : i32
    %add3A_4 = arith.constant 0 : i32
    %add3A_5 = arith.addi %add3A_4, %min3A_3 : i32
    "tpu.region"() ({
      %run_scoped3A = tpu.sem_alloc : memref<!tpu.dma_semaphore, #tpu.memory_space<semaphore_mem>>
      %dma_start3A_483 = arith.constant 0 : i32
      %dma_start3A_484 = tpu.memref_slice %arg12[%dma_start3A_483] : memref<3136xf32, #tpu.memory_space<vmem>> -> memref<3136xf32, #tpu.memory_space<vmem>>
      %dma_start3A_485 = tpu.memref_slice %arg2[%add3A_5] : memref<300000xf32, #tpu.memory_space<hbm>> -> memref<3136xf32, #tpu.memory_space<hbm>>
      %dma_start3A_486 = arith.constant 0 : i32
      %dma_start3A_487 = tpu.memref_slice %arg12[%dma_start3A_486] : memref<3136xf32, #tpu.memory_space<vmem>> -> memref<3136xf32, #tpu.memory_space<vmem>>
      %dma_start3A_488 = tpu.memref_slice %arg2[%add3A_5] : memref<300000xf32, #tpu.memory_space<hbm>> -> memref<3136xf32, #tpu.memory_space<hbm>>
      tpu.enqueue_dma source(%dma_start3A_488 : memref<3136xf32, #tpu.memory_space<hbm>>) target(%dma_start3A_487 : memref<3136xf32, #tpu.memory_space<vmem>>) target_semaphore(%run_scoped3A : memref<!tpu.dma_semaphore, #tpu.memory_space<semaphore_mem>>)
      %dma_wait3A_489 = arith.constant 0 : i32
      %dma_wait3A_490 = tpu.memref_slice %arg12[%dma_wait3A_489] : memref<3136xf32, #tpu.memory_space<vmem>> -> memref<3136xf32, #tpu.memory_space<vmem>>
      %dma_wait3A_491 = tpu.memref_slice %arg2[%add3A_5] : memref<300000xf32, #tpu.memory_space<hbm>> -> memref<3136xf32, #tpu.memory_space<hbm>>
      %dma_wait3A_492 = arith.constant 0 : i32
      %dma_wait3A_493 = tpu.memref_slice %arg12[%dma_wait3A_492] : memref<3136xf32, #tpu.memory_space<vmem>> -> memref<3136xf32, #tpu.memory_space<vmem>>
      %dma_wait3A_494 = tpu.memref_slice %arg2[%add3A_5] : memref<300000xf32, #tpu.memory_space<hbm>> -> memref<3136xf32, #tpu.memory_space<hbm>>
      tpu.wait_dma2 semaphore(%run_scoped3A : memref<!tpu.dma_semaphore, #tpu.memory_space<semaphore_mem>>) src(%dma_wait3A_494 : memref<3136xf32, #tpu.memory_space<hbm>>) dst(%dma_wait3A_493 : memref<3136xf32, #tpu.memory_space<vmem>>)
      tpu.yield
    }) : () -> ()
    %add3A_6 = arith.constant 0 : i32
    %add3A_7 = arith.addi %add3A_6, %min3A_3 : i32
    "tpu.region"() ({
      %run_scoped3A = tpu.sem_alloc : memref<!tpu.dma_semaphore, #tpu.memory_space<semaphore_mem>>
      %dma_start3A_483 = arith.constant 0 : i32
      %dma_start3A_484 = tpu.memref_slice %arg12[%dma_start3A_483] : memref<3136xf32, #tpu.memory_space<vmem>> -> memref<3136xf32, #tpu.memory_space<vmem>>
      %dma_start3A_485 = tpu.memref_slice %arg4[%add3A_7] : memref<900000xf32, #tpu.memory_space<hbm>> -> memref<3136xf32, #tpu.memory_space<hbm>>
      %dma_start3A_486 = tpu.memref_slice %arg4[%add3A_7] : memref<900000xf32, #tpu.memory_space<hbm>> -> memref<3136xf32, #tpu.memory_space<hbm>>
      %dma_start3A_487 = arith.constant 0 : i32
      %dma_start3A_488 = tpu.memref_slice %arg12[%dma_start3A_487] : memref<3136xf32, #tpu.memory_space<vmem>> -> memref<3136xf32, #tpu.memory_space<vmem>>
      tpu.enqueue_dma source(%dma_start3A_488 : memref<3136xf32, #tpu.memory_space<vmem>>) target(%dma_start3A_486 : memref<3136xf32, #tpu.memory_space<hbm>>) target_semaphore(%run_scoped3A : memref<!tpu.dma_semaphore, #tpu.memory_space<semaphore_mem>>)
      %dma_wait3A_489 = arith.constant 0 : i32
      %dma_wait3A_490 = tpu.memref_slice %arg12[%dma_wait3A_489] : memref<3136xf32, #tpu.memory_space<vmem>> -> memref<3136xf32, #tpu.memory_space<vmem>>
      %dma_wait3A_491 = tpu.memref_slice %arg4[%add3A_7] : memref<900000xf32, #tpu.memory_space<hbm>> -> memref<3136xf32, #tpu.memory_space<hbm>>
      %dma_wait3A_492 = tpu.memref_slice %arg4[%add3A_7] : memref<900000xf32, #tpu.memory_space<hbm>> -> memref<3136xf32, #tpu.memory_space<hbm>>
      %dma_wait3A_493 = arith.constant 0 : i32
      %dma_wait3A_494 = tpu.memref_slice %arg12[%dma_wait3A_493] : memref<3136xf32, #tpu.memory_space<vmem>> -> memref<3136xf32, #tpu.memory_space<vmem>>
      tpu.wait_dma2 semaphore(%run_scoped3A : memref<!tpu.dma_semaphore, #tpu.memory_space<semaphore_mem>>) src(%dma_wait3A_494 : memref<3136xf32, #tpu.memory_space<vmem>>) dst(%dma_wait3A_492 : memref<3136xf32, #tpu.memory_space<hbm>>)
      tpu.yield
    }) : () -> ()
    %add3A_8 = arith.constant 100000 : i32
    %add3A_9 = arith.addi %add3A_8, %min3A_3 : i32
    "tpu.region"() ({
      %run_scoped3A = tpu.sem_alloc : memref<!tpu.dma_semaphore, #tpu.memory_space<semaphore_mem>>
      %dma_start3A_483 = arith.constant 0 : i32
      %dma_start3A_484 = tpu.memref_slice %arg12[%dma_start3A_483] : memref<3136xf32, #tpu.memory_space<vmem>> -> memref<3136xf32, #tpu.memory_space<vmem>>
      %dma_start3A_485 = tpu.memref_slice %arg2[%add3A_9] : memref<300000xf32, #tpu.memory_space<hbm>> -> memref<3136xf32, #tpu.memory_space<hbm>>
      %dma_start3A_486 = arith.constant 0 : i32
      %dma_start3A_487 = tpu.memref_slice %arg12[%dma_start3A_486] : memref<3136xf32, #tpu.memory_space<vmem>> -> memref<3136xf32, #tpu.memory_space<vmem>>
      %dma_start3A_488 = tpu.memref_slice %arg2[%add3A_9] : memref<300000xf32, #tpu.memory_space<hbm>> -> memref<3136xf32, #tpu.memory_space<hbm>>
      tpu.enqueue_dma source(%dma_start3A_488 : memref<3136xf32, #tpu.memory_space<hbm>>) target(%dma_start3A_487 : memref<3136xf32, #tpu.memory_space<vmem>>) target_semaphore(%run_scoped3A : memref<!tpu.dma_semaphore, #tpu.memory_space<semaphore_mem>>)
      %dma_wait3A_489 = arith.constant 0 : i32
      %dma_wait3A_490 = tpu.memref_slice %arg12[%dma_wait3A_489] : memref<3136xf32, #tpu.memory_space<vmem>> -> memref<3136xf32, #tpu.memory_space<vmem>>
      %dma_wait3A_491 = tpu.memref_slice %arg2[%add3A_9] : memref<300000xf32, #tpu.memory_space<hbm>> -> memref<3136xf32, #tpu.memory_space<hbm>>
      %dma_wait3A_492 = arith.constant 0 : i32
      %dma_wait3A_493 = tpu.memref_slice %arg12[%dma_wait3A_492] : memref<3136xf32, #tpu.memory_space<vmem>> -> memref<3136xf32, #tpu.memory_space<vmem>>
      %dma_wait3A_494 = tpu.memref_slice %arg2[%add3A_9] : memref<300000xf32, #tpu.memory_space<hbm>> -> memref<3136xf32, #tpu.memory_space<hbm>>
      tpu.wait_dma2 semaphore(%run_scoped3A : memref<!tpu.dma_semaphore, #tpu.memory_space<semaphore_mem>>) src(%dma_wait3A_494 : memref<3136xf32, #tpu.memory_space<hbm>>) dst(%dma_wait3A_493 : memref<3136xf32, #tpu.memory_space<vmem>>)
      tpu.yield
    }) : () -> ()
    %add3A_10 = arith.constant 300000 : i32
    %add3A_11 = arith.addi %add3A_10, %min3A_3 : i32
    "tpu.region"() ({
      %run_scoped3A = tpu.sem_alloc : memref<!tpu.dma_semaphore, #tpu.memory_space<semaphore_mem>>
      %dma_start3A_483 = arith.constant 0 : i32
      %dma_start3A_484 = tpu.memref_slice %arg12[%dma_start3A_483] : memref<3136xf32, #tpu.memory_space<vmem>> -> memref<3136xf32, #tpu.memory_space<vmem>>
      %dma_start3A_485 = tpu.memref_slice %arg4[%add3A_11] : memref<900000xf32, #tpu.memory_space<hbm>> -> memref<3136xf32, #tpu.memory_space<hbm>>
      %dma_start3A_486 = tpu.memref_slice %arg4[%add3A_11] : memref<900000xf32, #tpu.memory_space<hbm>> -> memref<3136xf32, #tpu.memory_space<hbm>>
      %dma_start3A_487 = arith.constant 0 : i32
      %dma_start3A_488 = tpu.memref_slice %arg12[%dma_start3A_487] : memref<3136xf32, #tpu.memory_space<vmem>> -> memref<3136xf32, #tpu.memory_space<vmem>>
      tpu.enqueue_dma source(%dma_start3A_488 : memref<3136xf32, #tpu.memory_space<vmem>>) target(%dma_start3A_486 : memref<3136xf32, #tpu.memory_space<hbm>>) target_semaphore(%run_scoped3A : memref<!tpu.dma_semaphore, #tpu.memory_space<semaphore_mem>>)
      %dma_wait3A_489 = arith.constant 0 : i32
      %dma_wait3A_490 = tpu.memref_slice %arg12[%dma_wait3A_489] : memref<3136xf32, #tpu.memory_space<vmem>> -> memref<3136xf32, #tpu.memory_space<vmem>>
      %dma_wait3A_491 = tpu.memref_slice %arg4[%add3A_11] : memref<900000xf32, #tpu.memory_space<hbm>> -> memref<3136xf32, #tpu.memory_space<hbm>>
      %dma_wait3A_492 = tpu.memref_slice %arg4[%add3A_11] : memref<900000xf32, #tpu.memory_space<hbm>> -> memref<3136xf32, #tpu.memory_space<hbm>>
      %dma_wait3A_493 = arith.constant 0 : i32
      %dma_wait3A_494 = tpu.memref_slice %arg12[%dma_wait3A_493] : memref<3136xf32, #tpu.memory_space<vmem>> -> memref<3136xf32, #tpu.memory_space<vmem>>
      tpu.wait_dma2 semaphore(%run_scoped3A : memref<!tpu.dma_semaphore, #tpu.memory_space<semaphore_mem>>) src(%dma_wait3A_494 : memref<3136xf32, #tpu.memory_space<vmem>>) dst(%dma_wait3A_492 : memref<3136xf32, #tpu.memory_space<hbm>>)
      tpu.yield
    }) : () -> ()
    %add3A_12 = arith.constant 200000 : i32
    %add3A_13 = arith.addi %add3A_12, %min3A_3 : i32
    "tpu.region"() ({
      %run_scoped3A = tpu.sem_alloc : memref<!tpu.dma_semaphore, #tpu.memory_space<semaphore_mem>>
      %dma_start3A_483 = arith.constant 0 : i32
      %dma_start3A_484 = tpu.memref_slice %arg12[%dma_start3A_483] : memref<3136xf32, #tpu.memory_space<vmem>> -> memref<3136xf32, #tpu.memory_space<vmem>>
      %dma_start3A_485 = tpu.memref_slice %arg2[%add3A_13] : memref<300000xf32, #tpu.memory_space<hbm>> -> memref<3136xf32, #tpu.memory_space<hbm>>
      %dma_start3A_486 = arith.constant 0 : i32
      %dma_start3A_487 = tpu.memref_slice %arg12[%dma_start3A_486] : memref<3136xf32, #tpu.memory_space<vmem>> -> memref<3136xf32, #tpu.memory_space<vmem>>
      %dma_start3A_488 = tpu.memref_slice %arg2[%add3A_13] : memref<300000xf32, #tpu.memory_space<hbm>> -> memref<3136xf32, #tpu.memory_space<hbm>>
      tpu.enqueue_dma source(%dma_start3A_488 : memref<3136xf32, #tpu.memory_space<hbm>>) target(%dma_start3A_487 : memref<3136xf32, #tpu.memory_space<vmem>>) target_semaphore(%run_scoped3A : memref<!tpu.dma_semaphore, #tpu.memory_space<semaphore_mem>>)
      %dma_wait3A_489 = arith.constant 0 : i32
      %dma_wait3A_490 = tpu.memref_slice %arg12[%dma_wait3A_489] : memref<3136xf32, #tpu.memory_space<vmem>> -> memref<3136xf32, #tpu.memory_space<vmem>>
      %dma_wait3A_491 = tpu.memref_slice %arg2[%add3A_13] : memref<300000xf32, #tpu.memory_space<hbm>> -> memref<3136xf32, #tpu.memory_space<hbm>>
      %dma_wait3A_492 = arith.constant 0 : i32
      %dma_wait3A_493 = tpu.memref_slice %arg12[%dma_wait3A_492] : memref<3136xf32, #tpu.memory_space<vmem>> -> memref<3136xf32, #tpu.memory_space<vmem>>
      %dma_wait3A_494 = tpu.memref_slice %arg2[%add3A_13] : memref<300000xf32, #tpu.memory_space<hbm>> -> memref<3136xf32, #tpu.memory_space<hbm>>
      tpu.wait_dma2 semaphore(%run_scoped3A : memref<!tpu.dma_semaphore, #tpu.memory_space<semaphore_mem>>) src(%dma_wait3A_494 : memref<3136xf32, #tpu.memory_space<hbm>>) dst(%dma_wait3A_493 : memref<3136xf32, #tpu.memory_space<vmem>>)
      tpu.yield
    }) : () -> ()
    %add3A_14 = arith.constant 600000 : i32
    %add3A_15 = arith.addi %add3A_14, %min3A_3 : i32
    "tpu.region"() ({
      %run_scoped3A = tpu.sem_alloc : memref<!tpu.dma_semaphore, #tpu.memory_space<semaphore_mem>>
      %dma_start3A_483 = arith.constant 0 : i32
      %dma_start3A_484 = tpu.memref_slice %arg12[%dma_start3A_483] : memref<3136xf32, #tpu.memory_space<vmem>> -> memref<3136xf32, #tpu.memory_space<vmem>>
      %dma_start3A_485 = tpu.memref_slice %arg4[%add3A_15] : memref<900000xf32, #tpu.memory_space<hbm>> -> memref<3136xf32, #tpu.memory_space<hbm>>
      %dma_start3A_486 = tpu.memref_slice %arg4[%add3A_15] : memref<900000xf32, #tpu.memory_space<hbm>> -> memref<3136xf32, #tpu.memory_space<hbm>>
      %dma_start3A_487 = arith.constant 0 : i32
      %dma_start3A_488 = tpu.memref_slice %arg12[%dma_start3A_487] : memref<3136xf32, #tpu.memory_space<vmem>> -> memref<3136xf32, #tpu.memory_space<vmem>>
      tpu.enqueue_dma source(%dma_start3A_488 : memref<3136xf32, #tpu.memory_space<vmem>>) target(%dma_start3A_486 : memref<3136xf32, #tpu.memory_space<hbm>>) target_semaphore(%run_scoped3A : memref<!tpu.dma_semaphore, #tpu.memory_space<semaphore_mem>>)
      %dma_wait3A_489 = arith.constant 0 : i32
      %dma_wait3A_490 = tpu.memref_slice %arg12[%dma_wait3A_489] : memref<3136xf32, #tpu.memory_space<vmem>> -> memref<3136xf32, #tpu.memory_space<vmem>>
      %dma_wait3A_491 = tpu.memref_slice %arg4[%add3A_15] : memref<900000xf32, #tpu.memory_space<hbm>> -> memref<3136xf32, #tpu.memory_space<hbm>>
      %dma_wait3A_492 = tpu.memref_slice %arg4[%add3A_15] : memref<900000xf32, #tpu.memory_space<hbm>> -> memref<3136xf32, #tpu.memory_space<hbm>>
      %dma_wait3A_493 = arith.constant 0 : i32
      %dma_wait3A_494 = tpu.memref_slice %arg12[%dma_wait3A_493] : memref<3136xf32, #tpu.memory_space<vmem>> -> memref<3136xf32, #tpu.memory_space<vmem>>
      tpu.wait_dma2 semaphore(%run_scoped3A : memref<!tpu.dma_semaphore, #tpu.memory_space<semaphore_mem>>) src(%dma_wait3A_494 : memref<3136xf32, #tpu.memory_space<vmem>>) dst(%dma_wait3A_492 : memref<3136xf32, #tpu.memory_space<hbm>>)
      tpu.yield
    }) : () -> ()
    %jit3A = arith.constant 10 : i32
    %div3A = arith.divsi %add3A, %jit3A : i32
    %sign3A = arith.constant 0 : i32
    %sign3A_16 = arith.cmpi sgt, %add3A, %sign3A : i32
    %sign3A_17 = arith.extui %sign3A_16 : i1 to i32
    %sign3A_18 = arith.constant 0 : i32
    %sign3A_19 = arith.cmpi slt, %add3A, %sign3A_18 : i32
    %sign3A_20 = arith.extui %sign3A_19 : i1 to i32
    %sign3A_21 = arith.subi %sign3A_17, %sign3A_20 : i32
    %sign3A_22 = arith.constant 0 : i32
    %sign3A_23 = arith.cmpi sgt, %jit3A, %sign3A_22 : i32
    %sign3A_24 = arith.extui %sign3A_23 : i1 to i32
    %sign3A_25 = arith.constant 0 : i32
    %sign3A_26 = arith.cmpi slt, %jit3A, %sign3A_25 : i32
    %sign3A_27 = arith.extui %sign3A_26 : i1 to i32
    %sign3A_28 = arith.subi %sign3A_24, %sign3A_27 : i32
    %ne3A = arith.cmpi ne, %sign3A_21, %sign3A_28 : i32
    %rem3A = arith.remsi %add3A, %jit3A : i32
    %ne3A_29 = arith.constant 0 : i32
    %ne3A_30 = arith.cmpi ne, %rem3A, %ne3A_29 : i32
    %and3A = arith.andi %ne3A, %ne3A_30 : i1
    %sub3A = arith.constant 1 : i32
    %sub3A_31 = arith.subi %div3A, %sub3A : i32
    %select_n3A = arith.select %and3A, %sub3A_31, %div3A : i32
    %min3A_32 = arith.constant 2 : i32
    %min3A_33 = arith.minsi %select_n3A, %min3A_32 : i32
    %jit3A_34 = arith.constant 10 : i32
    %eq3A = arith.constant 0 : i32
    %eq3A_35 = arith.cmpi eq, %jit3A_34, %eq3A : i32
    %jit3A_36 = arith.constant 1 : i32
    %select_n3A_37 = arith.select %eq3A_35, %jit3A_36, %jit3A_34 : i32
    %rem3A_38 = arith.remsi %add3A, %select_n3A_37 : i32
    %ne3A_39 = arith.constant 0 : i32
    %ne3A_40 = arith.cmpi ne, %rem3A_38, %ne3A_39 : i32
    %lt3A = arith.constant 0 : i32
    %lt3A_41 = arith.cmpi slt, %rem3A_38, %lt3A : i32
    %lt3A_42 = arith.constant 0 : i32
    %lt3A_43 = arith.cmpi slt, %select_n3A_37, %lt3A_42 : i32
    %ne3A_44 = arith.xori %lt3A_41, %lt3A_43 : i1
    %and3A_45 = arith.andi %ne3A_44, %ne3A_40 : i1
    %add3A_46 = arith.addi %rem3A_38, %select_n3A_37 : i32
    %select_n3A_47 = arith.select %and3A_45, %add3A_46, %rem3A_38 : i32
    %mul3A_48 = arith.constant 20096 : i32
    %mul3A_49 = arith.muli %select_n3A_47, %mul3A_48 : i32
    %min3A_50 = arith.constant 179904 : i32
    %min3A_51 = arith.minsi %mul3A_49, %min3A_50 : i32
    %mul3A_52 = arith.constant 100000 : i32
    %mul3A_53 = arith.muli %min3A_33, %mul3A_52 : i32
    "tpu.region"() ({
      %run_scoped3A = tpu.sem_alloc : memref<!tpu.dma_semaphore, #tpu.memory_space<semaphore_mem>>
      %dma_start3A_483 = tpu.memref_slice %arg2[%mul3A_53] : memref<300000xf32, #tpu.memory_space<hbm>> -> memref<100000xf32, #tpu.memory_space<hbm>>
      %dma_start3A_484 = tpu.memref_slice %arg2[%mul3A_53] : memref<300000xf32, #tpu.memory_space<hbm>> -> memref<100000xf32, #tpu.memory_space<hbm>>
      tpu.enqueue_dma source(%dma_start3A_484 : memref<100000xf32, #tpu.memory_space<hbm>>) target(%arg5 : memref<100000xf32, #tpu.memory_space<vmem>>) target_semaphore(%run_scoped3A : memref<!tpu.dma_semaphore, #tpu.memory_space<semaphore_mem>>)
      %dma_wait3A_485 = tpu.memref_slice %arg2[%mul3A_53] : memref<300000xf32, #tpu.memory_space<hbm>> -> memref<100000xf32, #tpu.memory_space<hbm>>
      %dma_wait3A_486 = tpu.memref_slice %arg2[%mul3A_53] : memref<300000xf32, #tpu.memory_space<hbm>> -> memref<100000xf32, #tpu.memory_space<hbm>>
      tpu.wait_dma2 semaphore(%run_scoped3A : memref<!tpu.dma_semaphore, #tpu.memory_space<semaphore_mem>>) src(%dma_wait3A_486 : memref<100000xf32, #tpu.memory_space<hbm>>) dst(%arg5 : memref<100000xf32, #tpu.memory_space<vmem>>)
      tpu.yield
    }) : () -> ()
    %add3A_54 = arith.constant 0 : i32
    %add3A_55 = arith.addi %min3A_51, %add3A_54 : i32
    %add3A_56 = arith.constant 0 : i32
    %add3A_57 = arith.addi %add3A_56, %add3A_55 : i32
    %dma_start3A = tpu.memref_slice %arg3[%add3A_57] : memref<600000xi32, #tpu.memory_space<hbm>> -> memref<2512xi32, #tpu.memory_space<hbm>>
    %dma_start3A_58 = tpu.memref_slice %arg3[%add3A_57] : memref<600000xi32, #tpu.memory_space<hbm>> -> memref<2512xi32, #tpu.memory_space<hbm>>
    tpu.enqueue_dma source(%dma_start3A_58 : memref<2512xi32, #tpu.memory_space<hbm>>) target(%arg6 : memref<2512xi32, #tpu.memory_space<vmem>>) target_semaphore(%arg14 : memref<!tpu.dma_semaphore, #tpu.memory_space<semaphore_mem>>)
    %add3A_59 = arith.constant 200000 : i32
    %add3A_60 = arith.addi %add3A_59, %add3A_55 : i32
    %dma_start3A_61 = tpu.memref_slice %arg3[%add3A_60] : memref<600000xi32, #tpu.memory_space<hbm>> -> memref<2512xi32, #tpu.memory_space<hbm>>
    %dma_start3A_62 = tpu.memref_slice %arg3[%add3A_60] : memref<600000xi32, #tpu.memory_space<hbm>> -> memref<2512xi32, #tpu.memory_space<hbm>>
    tpu.enqueue_dma source(%dma_start3A_62 : memref<2512xi32, #tpu.memory_space<hbm>>) target(%arg7 : memref<2512xi32, #tpu.memory_space<vmem>>) target_semaphore(%arg14 : memref<!tpu.dma_semaphore, #tpu.memory_space<semaphore_mem>>)
    %add3A_63 = arith.constant 400000 : i32
    %add3A_64 = arith.addi %add3A_63, %add3A_55 : i32
    %dma_start3A_65 = tpu.memref_slice %arg3[%add3A_64] : memref<600000xi32, #tpu.memory_space<hbm>> -> memref<2512xi32, #tpu.memory_space<hbm>>
    %dma_start3A_66 = tpu.memref_slice %arg3[%add3A_64] : memref<600000xi32, #tpu.memory_space<hbm>> -> memref<2512xi32, #tpu.memory_space<hbm>>
    tpu.enqueue_dma source(%dma_start3A_66 : memref<2512xi32, #tpu.memory_space<hbm>>) target(%arg8 : memref<2512xi32, #tpu.memory_space<vmem>>) target_semaphore(%arg14 : memref<!tpu.dma_semaphore, #tpu.memory_space<semaphore_mem>>)
    %add3A_67 = arith.constant 2512 : i32
    %add3A_68 = arith.addi %min3A_51, %add3A_67 : i32
    %add3A_69 = arith.constant 0 : i32
    %add3A_70 = arith.addi %add3A_69, %add3A_68 : i32
    %dma_start3A_71 = tpu.memref_slice %arg3[%add3A_70] : memref<600000xi32, #tpu.memory_space<hbm>> -> memref<2512xi32, #tpu.memory_space<hbm>>
    %dma_start3A_72 = tpu.memref_slice %arg3[%add3A_70] : memref<600000xi32, #tpu.memory_space<hbm>> -> memref<2512xi32, #tpu.memory_space<hbm>>
    tpu.enqueue_dma source(%dma_start3A_72 : memref<2512xi32, #tpu.memory_space<hbm>>) target(%arg9 : memref<2512xi32, #tpu.memory_space<vmem>>) target_semaphore(%arg14 : memref<!tpu.dma_semaphore, #tpu.memory_space<semaphore_mem>>)
    %add3A_73 = arith.constant 200000 : i32
    %add3A_74 = arith.addi %add3A_73, %add3A_68 : i32
    %dma_start3A_75 = tpu.memref_slice %arg3[%add3A_74] : memref<600000xi32, #tpu.memory_space<hbm>> -> memref<2512xi32, #tpu.memory_space<hbm>>
    %dma_start3A_76 = tpu.memref_slice %arg3[%add3A_74] : memref<600000xi32, #tpu.memory_space<hbm>> -> memref<2512xi32, #tpu.memory_space<hbm>>
    tpu.enqueue_dma source(%dma_start3A_76 : memref<2512xi32, #tpu.memory_space<hbm>>) target(%arg10 : memref<2512xi32, #tpu.memory_space<vmem>>) target_semaphore(%arg14 : memref<!tpu.dma_semaphore, #tpu.memory_space<semaphore_mem>>)
    %add3A_77 = arith.constant 400000 : i32
    %add3A_78 = arith.addi %add3A_77, %add3A_68 : i32
    %dma_start3A_79 = tpu.memref_slice %arg3[%add3A_78] : memref<600000xi32, #tpu.memory_space<hbm>> -> memref<2512xi32, #tpu.memory_space<hbm>>
    %dma_start3A_80 = tpu.memref_slice %arg3[%add3A_78] : memref<600000xi32, #tpu.memory_space<hbm>> -> memref<2512xi32, #tpu.memory_space<hbm>>
    tpu.enqueue_dma source(%dma_start3A_80 : memref<2512xi32, #tpu.memory_space<hbm>>) target(%arg11 : memref<2512xi32, #tpu.memory_space<vmem>>) target_semaphore(%arg14 : memref<!tpu.dma_semaphore, #tpu.memory_space<semaphore_mem>>)
    %dma_wait3A = arith.constant 0 : i32
    %dma_wait3A_81 = tpu.memref_slice %arg3[%dma_wait3A] : memref<600000xi32, #tpu.memory_space<hbm>> -> memref<2512xi32, #tpu.memory_space<hbm>>
    %dma_wait3A_82 = arith.constant 0 : i32
    %dma_wait3A_83 = tpu.memref_slice %arg3[%dma_wait3A_82] : memref<600000xi32, #tpu.memory_space<hbm>> -> memref<2512xi32, #tpu.memory_space<hbm>>
    tpu.wait_dma2 semaphore(%arg14 : memref<!tpu.dma_semaphore, #tpu.memory_space<semaphore_mem>>) src(%dma_wait3A_83 : memref<2512xi32, #tpu.memory_space<hbm>>) dst(%arg6 : memref<2512xi32, #tpu.memory_space<vmem>>)
    %dma_wait3A_84 = arith.constant 0 : i32
    %dma_wait3A_85 = tpu.memref_slice %arg3[%dma_wait3A_84] : memref<600000xi32, #tpu.memory_space<hbm>> -> memref<2512xi32, #tpu.memory_space<hbm>>
    %dma_wait3A_86 = arith.constant 0 : i32
    %dma_wait3A_87 = tpu.memref_slice %arg3[%dma_wait3A_86] : memref<600000xi32, #tpu.memory_space<hbm>> -> memref<2512xi32, #tpu.memory_space<hbm>>
    tpu.wait_dma2 semaphore(%arg14 : memref<!tpu.dma_semaphore, #tpu.memory_space<semaphore_mem>>) src(%dma_wait3A_87 : memref<2512xi32, #tpu.memory_space<hbm>>) dst(%arg7 : memref<2512xi32, #tpu.memory_space<vmem>>)
    %dma_wait3A_88 = arith.constant 0 : i32
    %dma_wait3A_89 = tpu.memref_slice %arg3[%dma_wait3A_88] : memref<600000xi32, #tpu.memory_space<hbm>> -> memref<2512xi32, #tpu.memory_space<hbm>>
    %dma_wait3A_90 = arith.constant 0 : i32
    %dma_wait3A_91 = tpu.memref_slice %arg3[%dma_wait3A_90] : memref<600000xi32, #tpu.memory_space<hbm>> -> memref<2512xi32, #tpu.memory_space<hbm>>
    tpu.wait_dma2 semaphore(%arg14 : memref<!tpu.dma_semaphore, #tpu.memory_space<semaphore_mem>>) src(%dma_wait3A_91 : memref<2512xi32, #tpu.memory_space<hbm>>) dst(%arg8 : memref<2512xi32, #tpu.memory_space<vmem>>)
    %scan3A = arith.constant 0 : i32
    %scan3A_92 = arith.constant 0 : i32
    %scan3A_93 = arith.constant 157 : i32
    %scan3A_94 = arith.addi %scan3A_92, %scan3A_93 : i32
    %scan3A_95 = arith.constant 1 : i32
    %scan3A_96 = scf.for %scan3A_483 = %scan3A_92 to %scan3A_94 step %scan3A_95 iter_args(%scan3A_484 = %scan3A) -> (i32)  : i32 {
      %mul3A_485 = arith.constant 16 : i32
      %mul3A_486 = arith.muli %scan3A_483, %mul3A_485 : i32
      %get3A = arith.index_cast %mul3A_486 : i32 to index
      %get3A_487 = tpu.vector_load %arg6[%get3A] {strides = array<i32>} : memref<2512xi32, #tpu.memory_space<vmem>>, vector<16xi32>,
      %gather3A = tpu.vector_load_idx %arg5[%get3A_487] : memref<100000xf32, #tpu.memory_space<vmem>>[vector<16xi32>], vector<16xf32>,
      %get3A_488 = arith.index_cast %mul3A_486 : i32 to index
      %get3A_489 = tpu.vector_load %arg7[%get3A_488] {strides = array<i32>} : memref<2512xi32, #tpu.memory_space<vmem>>, vector<16xi32>,
      %gather3A_490 = tpu.vector_load_idx %arg5[%get3A_489] : memref<100000xf32, #tpu.memory_space<vmem>>[vector<16xi32>], vector<16xf32>,
      %get3A_491 = arith.index_cast %mul3A_486 : i32 to index
      %get3A_492 = tpu.vector_load %arg8[%get3A_491] {strides = array<i32>} : memref<2512xi32, #tpu.memory_space<vmem>>, vector<16xi32>,
      %gather3A_493 = tpu.vector_load_idx %arg5[%get3A_492] : memref<100000xf32, #tpu.memory_space<vmem>>[vector<16xi32>], vector<16xf32>,
      %add3A_494 = arith.addf %gather3A, %gather3A_490 : vector<16xf32>
      %add3A_495 = arith.addf %add3A_494, %gather3A_493 : vector<16xf32>
      %div3A_496 = arith.constant 3.000000e+00 : f32
      %div3A_497 = vector.broadcast %div3A_496 : f32 to vector<16xf32>
      %div3A_498 = arith.divf %add3A_495, %div3A_497 : vector<16xf32>
      %swap3A = arith.index_cast %mul3A_486 : i32 to index
      %swap3A_499 = tpu.vector_load %arg12[%swap3A] {strides = array<i32>} : memref<3136xf32, #tpu.memory_space<vmem>>, vector<16xf32>,
      tpu.vector_store %arg12[%swap3A], %div3A_498 {strides = array<i32>} : memref<3136xf32, #tpu.memory_space<vmem>>, vector<16xf32>,
      %scan3A_500 = arith.constant 0 : i32
      scf.yield %scan3A_500 : i32
    }
    %scan3A_97 = arith.constant 157 : i32
    %add3A_98 = arith.constant 0 : i32
    %add3A_99 = arith.addi %min3A_51, %add3A_98 : i32
    %mul3A_100 = arith.constant 300000 : i32
    %mul3A_101 = arith.muli %min3A_33, %mul3A_100 : i32
    %add3A_102 = arith.constant 100000 : i32
    %add3A_103 = arith.addi %mul3A_101, %add3A_102 : i32
    %add3A_104 = arith.addi %add3A_103, %add3A_99 : i32
    %dma_start3A_105 = arith.constant 0 : i32
    %dma_start3A_106 = tpu.memref_slice %arg12[%dma_start3A_105] : memref<3136xf32, #tpu.memory_space<vmem>> -> memref<2512xf32, #tpu.memory_space<vmem>>
    %dma_start3A_107 = tpu.memref_slice %arg4[%add3A_104] : memref<900000xf32, #tpu.memory_space<hbm>> -> memref<2512xf32, #tpu.memory_space<hbm>>
    %dma_start3A_108 = tpu.memref_slice %arg4[%add3A_104] : memref<900000xf32, #tpu.memory_space<hbm>> -> memref<2512xf32, #tpu.memory_space<hbm>>
    %dma_start3A_109 = arith.constant 0 : i32
    %dma_start3A_110 = tpu.memref_slice %arg12[%dma_start3A_109] : memref<3136xf32, #tpu.memory_space<vmem>> -> memref<2512xf32, #tpu.memory_space<vmem>>
    tpu.enqueue_dma source(%dma_start3A_110 : memref<2512xf32, #tpu.memory_space<vmem>>) target(%dma_start3A_108 : memref<2512xf32, #tpu.memory_space<hbm>>) target_semaphore(%arg15 : memref<!tpu.dma_semaphore, #tpu.memory_space<semaphore_mem>>)
    %add3A_111 = arith.constant 5024 : i32
    %add3A_112 = arith.addi %min3A_51, %add3A_111 : i32
    %add3A_113 = arith.constant 0 : i32
    %add3A_114 = arith.addi %add3A_113, %add3A_112 : i32
    %dma_start3A_115 = tpu.memref_slice %arg3[%add3A_114] : memref<600000xi32, #tpu.memory_space<hbm>> -> memref<2512xi32, #tpu.memory_space<hbm>>
    %dma_start3A_116 = tpu.memref_slice %arg3[%add3A_114] : memref<600000xi32, #tpu.memory_space<hbm>> -> memref<2512xi32, #tpu.memory_space<hbm>>
    tpu.enqueue_dma source(%dma_start3A_116 : memref<2512xi32, #tpu.memory_space<hbm>>) target(%arg6 : memref<2512xi32, #tpu.memory_space<vmem>>) target_semaphore(%arg14 : memref<!tpu.dma_semaphore, #tpu.memory_space<semaphore_mem>>)
    %add3A_117 = arith.constant 200000 : i32
    %add3A_118 = arith.addi %add3A_117, %add3A_112 : i32
    %dma_start3A_119 = tpu.memref_slice %arg3[%add3A_118] : memref<600000xi32, #tpu.memory_space<hbm>> -> memref<2512xi32, #tpu.memory_space<hbm>>
    %dma_start3A_120 = tpu.memref_slice %arg3[%add3A_118] : memref<600000xi32, #tpu.memory_space<hbm>> -> memref<2512xi32, #tpu.memory_space<hbm>>
    tpu.enqueue_dma source(%dma_start3A_120 : memref<2512xi32, #tpu.memory_space<hbm>>) target(%arg7 : memref<2512xi32, #tpu.memory_space<vmem>>) target_semaphore(%arg14 : memref<!tpu.dma_semaphore, #tpu.memory_space<semaphore_mem>>)
    %add3A_121 = arith.constant 400000 : i32
    %add3A_122 = arith.addi %add3A_121, %add3A_112 : i32
    %dma_start3A_123 = tpu.memref_slice %arg3[%add3A_122] : memref<600000xi32, #tpu.memory_space<hbm>> -> memref<2512xi32, #tpu.memory_space<hbm>>
    %dma_start3A_124 = tpu.memref_slice %arg3[%add3A_122] : memref<600000xi32, #tpu.memory_space<hbm>> -> memref<2512xi32, #tpu.memory_space<hbm>>
    tpu.enqueue_dma source(%dma_start3A_124 : memref<2512xi32, #tpu.memory_space<hbm>>) target(%arg8 : memref<2512xi32, #tpu.memory_space<vmem>>) target_semaphore(%arg14 : memref<!tpu.dma_semaphore, #tpu.memory_space<semaphore_mem>>)
    %dma_wait3A_125 = arith.constant 0 : i32
    %dma_wait3A_126 = tpu.memref_slice %arg3[%dma_wait3A_125] : memref<600000xi32, #tpu.memory_space<hbm>> -> memref<2512xi32, #tpu.memory_space<hbm>>
    %dma_wait3A_127 = arith.constant 0 : i32
    %dma_wait3A_128 = tpu.memref_slice %arg3[%dma_wait3A_127] : memref<600000xi32, #tpu.memory_space<hbm>> -> memref<2512xi32, #tpu.memory_space<hbm>>
    tpu.wait_dma2 semaphore(%arg14 : memref<!tpu.dma_semaphore, #tpu.memory_space<semaphore_mem>>) src(%dma_wait3A_128 : memref<2512xi32, #tpu.memory_space<hbm>>) dst(%arg9 : memref<2512xi32, #tpu.memory_space<vmem>>)
    %dma_wait3A_129 = arith.constant 0 : i32
    %dma_wait3A_130 = tpu.memref_slice %arg3[%dma_wait3A_129] : memref<600000xi32, #tpu.memory_space<hbm>> -> memref<2512xi32, #tpu.memory_space<hbm>>
    %dma_wait3A_131 = arith.constant 0 : i32
    %dma_wait3A_132 = tpu.memref_slice %arg3[%dma_wait3A_131] : memref<600000xi32, #tpu.memory_space<hbm>> -> memref<2512xi32, #tpu.memory_space<hbm>>
    tpu.wait_dma2 semaphore(%arg14 : memref<!tpu.dma_semaphore, #tpu.memory_space<semaphore_mem>>) src(%dma_wait3A_132 : memref<2512xi32, #tpu.memory_space<hbm>>) dst(%arg10 : memref<2512xi32, #tpu.memory_space<vmem>>)
    %dma_wait3A_133 = arith.constant 0 : i32
    %dma_wait3A_134 = tpu.memref_slice %arg3[%dma_wait3A_133] : memref<600000xi32, #tpu.memory_space<hbm>> -> memref<2512xi32, #tpu.memory_space<hbm>>
    %dma_wait3A_135 = arith.constant 0 : i32
    %dma_wait3A_136 = tpu.memref_slice %arg3[%dma_wait3A_135] : memref<600000xi32, #tpu.memory_space<hbm>> -> memref<2512xi32, #tpu.memory_space<hbm>>
    tpu.wait_dma2 semaphore(%arg14 : memref<!tpu.dma_semaphore, #tpu.memory_space<semaphore_mem>>) src(%dma_wait3A_136 : memref<2512xi32, #tpu.memory_space<hbm>>) dst(%arg11 : memref<2512xi32, #tpu.memory_space<vmem>>)
    %scan3A_137 = arith.constant 0 : i32
    %scan3A_138 = arith.constant 0 : i32
    %scan3A_139 = arith.constant 157 : i32
    %scan3A_140 = arith.addi %scan3A_138, %scan3A_139 : i32
    %scan3A_141 = arith.constant 1 : i32
    %scan3A_142 = scf.for %scan3A_483 = %scan3A_138 to %scan3A_140 step %scan3A_141 iter_args(%scan3A_484 = %scan3A_137) -> (i32)  : i32 {
      %mul3A_485 = arith.constant 16 : i32
      %mul3A_486 = arith.muli %scan3A_483, %mul3A_485 : i32
      %get3A = arith.index_cast %mul3A_486 : i32 to index
      %get3A_487 = tpu.vector_load %arg9[%get3A] {strides = array<i32>} : memref<2512xi32, #tpu.memory_space<vmem>>, vector<16xi32>,
      %gather3A = tpu.vector_load_idx %arg5[%get3A_487] : memref<100000xf32, #tpu.memory_space<vmem>>[vector<16xi32>], vector<16xf32>,
      %get3A_488 = arith.index_cast %mul3A_486 : i32 to index
      %get3A_489 = tpu.vector_load %arg10[%get3A_488] {strides = array<i32>} : memref<2512xi32, #tpu.memory_space<vmem>>, vector<16xi32>,
      %gather3A_490 = tpu.vector_load_idx %arg5[%get3A_489] : memref<100000xf32, #tpu.memory_space<vmem>>[vector<16xi32>], vector<16xf32>,
      %get3A_491 = arith.index_cast %mul3A_486 : i32 to index
      %get3A_492 = tpu.vector_load %arg11[%get3A_491] {strides = array<i32>} : memref<2512xi32, #tpu.memory_space<vmem>>, vector<16xi32>,
      %gather3A_493 = tpu.vector_load_idx %arg5[%get3A_492] : memref<100000xf32, #tpu.memory_space<vmem>>[vector<16xi32>], vector<16xf32>,
      %add3A_494 = arith.addf %gather3A, %gather3A_490 : vector<16xf32>
      %add3A_495 = arith.addf %add3A_494, %gather3A_493 : vector<16xf32>
      %div3A_496 = arith.constant 3.000000e+00 : f32
      %div3A_497 = vector.broadcast %div3A_496 : f32 to vector<16xf32>
      %div3A_498 = arith.divf %add3A_495, %div3A_497 : vector<16xf32>
      %swap3A = arith.index_cast %mul3A_486 : i32 to index
      %swap3A_499 = tpu.vector_load %arg13[%swap3A] {strides = array<i32>} : memref<2512xf32, #tpu.memory_space<vmem>>, vector<16xf32>,
      tpu.vector_store %arg13[%swap3A], %div3A_498 {strides = array<i32>} : memref<2512xf32, #tpu.memory_space<vmem>>, vector<16xf32>,
      %scan3A_500 = arith.constant 0 : i32
      scf.yield %scan3A_500 : i32
    }
    %scan3A_143 = arith.constant 157 : i32
    %add3A_144 = arith.constant 2512 : i32
    %add3A_145 = arith.addi %min3A_51, %add3A_144 : i32
    %mul3A_146 = arith.constant 300000 : i32
    %mul3A_147 = arith.muli %min3A_33, %mul3A_146 : i32
    %add3A_148 = arith.constant 100000 : i32
    %add3A_149 = arith.addi %mul3A_147, %add3A_148 : i32
    %add3A_150 = arith.addi %add3A_149, %add3A_145 : i32
    %dma_start3A_151 = arith.constant 0 : i32
    %dma_start3A_152 = tpu.memref_slice %arg13[%dma_start3A_151] : memref<2512xf32, #tpu.memory_space<vmem>> -> memref<2512xf32, #tpu.memory_space<vmem>>
    %dma_start3A_153 = tpu.memref_slice %arg4[%add3A_150] : memref<900000xf32, #tpu.memory_space<hbm>> -> memref<2512xf32, #tpu.memory_space<hbm>>
    %dma_start3A_154 = tpu.memref_slice %arg4[%add3A_150] : memref<900000xf32, #tpu.memory_space<hbm>> -> memref<2512xf32, #tpu.memory_space<hbm>>
    %dma_start3A_155 = arith.constant 0 : i32
    %dma_start3A_156 = tpu.memref_slice %arg13[%dma_start3A_155] : memref<2512xf32, #tpu.memory_space<vmem>> -> memref<2512xf32, #tpu.memory_space<vmem>>
    tpu.enqueue_dma source(%dma_start3A_156 : memref<2512xf32, #tpu.memory_space<vmem>>) target(%dma_start3A_154 : memref<2512xf32, #tpu.memory_space<hbm>>) target_semaphore(%arg15 : memref<!tpu.dma_semaphore, #tpu.memory_space<semaphore_mem>>)
    %add3A_157 = arith.constant 7536 : i32
    %add3A_158 = arith.addi %min3A_51, %add3A_157 : i32
    %add3A_159 = arith.constant 0 : i32
    %add3A_160 = arith.addi %add3A_159, %add3A_158 : i32
    %dma_start3A_161 = tpu.memref_slice %arg3[%add3A_160] : memref<600000xi32, #tpu.memory_space<hbm>> -> memref<2512xi32, #tpu.memory_space<hbm>>
    %dma_start3A_162 = tpu.memref_slice %arg3[%add3A_160] : memref<600000xi32, #tpu.memory_space<hbm>> -> memref<2512xi32, #tpu.memory_space<hbm>>
    tpu.enqueue_dma source(%dma_start3A_162 : memref<2512xi32, #tpu.memory_space<hbm>>) target(%arg9 : memref<2512xi32, #tpu.memory_space<vmem>>) target_semaphore(%arg14 : memref<!tpu.dma_semaphore, #tpu.memory_space<semaphore_mem>>)
    %add3A_163 = arith.constant 200000 : i32
    %add3A_164 = arith.addi %add3A_163, %add3A_158 : i32
    %dma_start3A_165 = tpu.memref_slice %arg3[%add3A_164] : memref<600000xi32, #tpu.memory_space<hbm>> -> memref<2512xi32, #tpu.memory_space<hbm>>
    %dma_start3A_166 = tpu.memref_slice %arg3[%add3A_164] : memref<600000xi32, #tpu.memory_space<hbm>> -> memref<2512xi32, #tpu.memory_space<hbm>>
    tpu.enqueue_dma source(%dma_start3A_166 : memref<2512xi32, #tpu.memory_space<hbm>>) target(%arg10 : memref<2512xi32, #tpu.memory_space<vmem>>) target_semaphore(%arg14 : memref<!tpu.dma_semaphore, #tpu.memory_space<semaphore_mem>>)
    %add3A_167 = arith.constant 400000 : i32
    %add3A_168 = arith.addi %add3A_167, %add3A_158 : i32
    %dma_start3A_169 = tpu.memref_slice %arg3[%add3A_168] : memref<600000xi32, #tpu.memory_space<hbm>> -> memref<2512xi32, #tpu.memory_space<hbm>>
    %dma_start3A_170 = tpu.memref_slice %arg3[%add3A_168] : memref<600000xi32, #tpu.memory_space<hbm>> -> memref<2512xi32, #tpu.memory_space<hbm>>
    tpu.enqueue_dma source(%dma_start3A_170 : memref<2512xi32, #tpu.memory_space<hbm>>) target(%arg11 : memref<2512xi32, #tpu.memory_space<vmem>>) target_semaphore(%arg14 : memref<!tpu.dma_semaphore, #tpu.memory_space<semaphore_mem>>)
    %dma_wait3A_171 = arith.constant 0 : i32
    %dma_wait3A_172 = tpu.memref_slice %arg3[%dma_wait3A_171] : memref<600000xi32, #tpu.memory_space<hbm>> -> memref<2512xi32, #tpu.memory_space<hbm>>
    %dma_wait3A_173 = arith.constant 0 : i32
    %dma_wait3A_174 = tpu.memref_slice %arg3[%dma_wait3A_173] : memref<600000xi32, #tpu.memory_space<hbm>> -> memref<2512xi32, #tpu.memory_space<hbm>>
    tpu.wait_dma2 semaphore(%arg14 : memref<!tpu.dma_semaphore, #tpu.memory_space<semaphore_mem>>) src(%dma_wait3A_174 : memref<2512xi32, #tpu.memory_space<hbm>>) dst(%arg6 : memref<2512xi32, #tpu.memory_space<vmem>>)
    %dma_wait3A_175 = arith.constant 0 : i32
    %dma_wait3A_176 = tpu.memref_slice %arg3[%dma_wait3A_175] : memref<600000xi32, #tpu.memory_space<hbm>> -> memref<2512xi32, #tpu.memory_space<hbm>>
    %dma_wait3A_177 = arith.constant 0 : i32
    %dma_wait3A_178 = tpu.memref_slice %arg3[%dma_wait3A_177] : memref<600000xi32, #tpu.memory_space<hbm>> -> memref<2512xi32, #tpu.memory_space<hbm>>
    tpu.wait_dma2 semaphore(%arg14 : memref<!tpu.dma_semaphore, #tpu.memory_space<semaphore_mem>>) src(%dma_wait3A_178 : memref<2512xi32, #tpu.memory_space<hbm>>) dst(%arg7 : memref<2512xi32, #tpu.memory_space<vmem>>)
    %dma_wait3A_179 = arith.constant 0 : i32
    %dma_wait3A_180 = tpu.memref_slice %arg3[%dma_wait3A_179] : memref<600000xi32, #tpu.memory_space<hbm>> -> memref<2512xi32, #tpu.memory_space<hbm>>
    %dma_wait3A_181 = arith.constant 0 : i32
    %dma_wait3A_182 = tpu.memref_slice %arg3[%dma_wait3A_181] : memref<600000xi32, #tpu.memory_space<hbm>> -> memref<2512xi32, #tpu.memory_space<hbm>>
    tpu.wait_dma2 semaphore(%arg14 : memref<!tpu.dma_semaphore, #tpu.memory_space<semaphore_mem>>) src(%dma_wait3A_182 : memref<2512xi32, #tpu.memory_space<hbm>>) dst(%arg8 : memref<2512xi32, #tpu.memory_space<vmem>>)
    %dma_wait3A_183 = arith.constant 0 : i32
    %dma_wait3A_184 = tpu.memref_slice %arg12[%dma_wait3A_183] : memref<3136xf32, #tpu.memory_space<vmem>> -> memref<2512xf32, #tpu.memory_space<vmem>>
    %dma_wait3A_185 = arith.constant 0 : i32
    %dma_wait3A_186 = tpu.memref_slice %arg4[%dma_wait3A_185] : memref<900000xf32, #tpu.memory_space<hbm>> -> memref<2512xf32, #tpu.memory_space<hbm>>
    %dma_wait3A_187 = arith.constant 0 : i32
    %dma_wait3A_188 = tpu.memref_slice %arg4[%dma_wait3A_187] : memref<900000xf32, #tpu.memory_space<hbm>> -> memref<2512xf32, #tpu.memory_space<hbm>>
    %dma_wait3A_189 = arith.constant 0 : i32
    %dma_wait3A_190 = tpu.memref_slice %arg12[%dma_wait3A_189] : memref<3136xf32, #tpu.memory_space<vmem>> -> memref<2512xf32, #tpu.memory_space<vmem>>
    tpu.wait_dma2 semaphore(%arg15 : memref<!tpu.dma_semaphore, #tpu.memory_space<semaphore_mem>>) src(%dma_wait3A_190 : memref<2512xf32, #tpu.memory_space<vmem>>) dst(%dma_wait3A_188 : memref<2512xf32, #tpu.memory_space<hbm>>)
    %scan3A_191 = arith.constant 0 : i32
    %scan3A_192 = arith.constant 0 : i32
    %scan3A_193 = arith.constant 157 : i32
    %scan3A_194 = arith.addi %scan3A_192, %scan3A_193 : i32
    %scan3A_195 = arith.constant 1 : i32
    %scan3A_196 = scf.for %scan3A_483 = %scan3A_192 to %scan3A_194 step %scan3A_195 iter_args(%scan3A_484 = %scan3A_191) -> (i32)  : i32 {
      %mul3A_485 = arith.constant 16 : i32
      %mul3A_486 = arith.muli %scan3A_483, %mul3A_485 : i32
      %get3A = arith.index_cast %mul3A_486 : i32 to index
      %get3A_487 = tpu.vector_load %arg6[%get3A] {strides = array<i32>} : memref<2512xi32, #tpu.memory_space<vmem>>, vector<16xi32>,
      %gather3A = tpu.vector_load_idx %arg5[%get3A_487] : memref<100000xf32, #tpu.memory_space<vmem>>[vector<16xi32>], vector<16xf32>,
      %get3A_488 = arith.index_cast %mul3A_486 : i32 to index
      %get3A_489 = tpu.vector_load %arg7[%get3A_488] {strides = array<i32>} : memref<2512xi32, #tpu.memory_space<vmem>>, vector<16xi32>,
      %gather3A_490 = tpu.vector_load_idx %arg5[%get3A_489] : memref<100000xf32, #tpu.memory_space<vmem>>[vector<16xi32>], vector<16xf32>,
      %get3A_491 = arith.index_cast %mul3A_486 : i32 to index
      %get3A_492 = tpu.vector_load %arg8[%get3A_491] {strides = array<i32>} : memref<2512xi32, #tpu.memory_space<vmem>>, vector<16xi32>,
      %gather3A_493 = tpu.vector_load_idx %arg5[%get3A_492] : memref<100000xf32, #tpu.memory_space<vmem>>[vector<16xi32>], vector<16xf32>,
      %add3A_494 = arith.addf %gather3A, %gather3A_490 : vector<16xf32>
      %add3A_495 = arith.addf %add3A_494, %gather3A_493 : vector<16xf32>
      %div3A_496 = arith.constant 3.000000e+00 : f32
      %div3A_497 = vector.broadcast %div3A_496 : f32 to vector<16xf32>
      %div3A_498 = arith.divf %add3A_495, %div3A_497 : vector<16xf32>
      %swap3A = arith.index_cast %mul3A_486 : i32 to index
      %swap3A_499 = tpu.vector_load %arg12[%swap3A] {strides = array<i32>} : memref<3136xf32, #tpu.memory_space<vmem>>, vector<16xf32>,
      tpu.vector_store %arg12[%swap3A], %div3A_498 {strides = array<i32>} : memref<3136xf32, #tpu.memory_space<vmem>>, vector<16xf32>,
      %scan3A_500 = arith.constant 0 : i32
      scf.yield %scan3A_500 : i32
    }
    %scan3A_197 = arith.constant 157 : i32
    %add3A_198 = arith.constant 5024 : i32
    %add3A_199 = arith.addi %min3A_51, %add3A_198 : i32
    %mul3A_200 = arith.constant 300000 : i32
    %mul3A_201 = arith.muli %min3A_33, %mul3A_200 : i32
    %add3A_202 = arith.constant 100000 : i32
    %add3A_203 = arith.addi %mul3A_201, %add3A_202 : i32
    %add3A_204 = arith.addi %add3A_203, %add3A_199 : i32
    %dma_start3A_205 = arith.constant 0 : i32
    %dma_start3A_206 = tpu.memref_slice %arg12[%dma_start3A_205] : memref<3136xf32, #tpu.memory_space<vmem>> -> memref<2512xf32, #tpu.memory_space<vmem>>
    %dma_start3A_207 = tpu.memref_slice %arg4[%add3A_204] : memref<900000xf32, #tpu.memory_space<hbm>> -> memref<2512xf32, #tpu.memory_space<hbm>>
    %dma_start3A_208 = tpu.memref_slice %arg4[%add3A_204] : memref<900000xf32, #tpu.memory_space<hbm>> -> memref<2512xf32, #tpu.memory_space<hbm>>
    %dma_start3A_209 = arith.constant 0 : i32
    %dma_start3A_210 = tpu.memref_slice %arg12[%dma_start3A_209] : memref<3136xf32, #tpu.memory_space<vmem>> -> memref<2512xf32, #tpu.memory_space<vmem>>
    tpu.enqueue_dma source(%dma_start3A_210 : memref<2512xf32, #tpu.memory_space<vmem>>) target(%dma_start3A_208 : memref<2512xf32, #tpu.memory_space<hbm>>) target_semaphore(%arg15 : memref<!tpu.dma_semaphore, #tpu.memory_space<semaphore_mem>>)
    %add3A_211 = arith.constant 10048 : i32
    %add3A_212 = arith.addi %min3A_51, %add3A_211 : i32
    %add3A_213 = arith.constant 0 : i32
    %add3A_214 = arith.addi %add3A_213, %add3A_212 : i32
    %dma_start3A_215 = tpu.memref_slice %arg3[%add3A_214] : memref<600000xi32, #tpu.memory_space<hbm>> -> memref<2512xi32, #tpu.memory_space<hbm>>
    %dma_start3A_216 = tpu.memref_slice %arg3[%add3A_214] : memref<600000xi32, #tpu.memory_space<hbm>> -> memref<2512xi32, #tpu.memory_space<hbm>>
    tpu.enqueue_dma source(%dma_start3A_216 : memref<2512xi32, #tpu.memory_space<hbm>>) target(%arg6 : memref<2512xi32, #tpu.memory_space<vmem>>) target_semaphore(%arg14 : memref<!tpu.dma_semaphore, #tpu.memory_space<semaphore_mem>>)
    %add3A_217 = arith.constant 200000 : i32
    %add3A_218 = arith.addi %add3A_217, %add3A_212 : i32
    %dma_start3A_219 = tpu.memref_slice %arg3[%add3A_218] : memref<600000xi32, #tpu.memory_space<hbm>> -> memref<2512xi32, #tpu.memory_space<hbm>>
    %dma_start3A_220 = tpu.memref_slice %arg3[%add3A_218] : memref<600000xi32, #tpu.memory_space<hbm>> -> memref<2512xi32, #tpu.memory_space<hbm>>
    tpu.enqueue_dma source(%dma_start3A_220 : memref<2512xi32, #tpu.memory_space<hbm>>) target(%arg7 : memref<2512xi32, #tpu.memory_space<vmem>>) target_semaphore(%arg14 : memref<!tpu.dma_semaphore, #tpu.memory_space<semaphore_mem>>)
    %add3A_221 = arith.constant 400000 : i32
    %add3A_222 = arith.addi %add3A_221, %add3A_212 : i32
    %dma_start3A_223 = tpu.memref_slice %arg3[%add3A_222] : memref<600000xi32, #tpu.memory_space<hbm>> -> memref<2512xi32, #tpu.memory_space<hbm>>
    %dma_start3A_224 = tpu.memref_slice %arg3[%add3A_222] : memref<600000xi32, #tpu.memory_space<hbm>> -> memref<2512xi32, #tpu.memory_space<hbm>>
    tpu.enqueue_dma source(%dma_start3A_224 : memref<2512xi32, #tpu.memory_space<hbm>>) target(%arg8 : memref<2512xi32, #tpu.memory_space<vmem>>) target_semaphore(%arg14 : memref<!tpu.dma_semaphore, #tpu.memory_space<semaphore_mem>>)
    %dma_wait3A_225 = arith.constant 0 : i32
    %dma_wait3A_226 = tpu.memref_slice %arg3[%dma_wait3A_225] : memref<600000xi32, #tpu.memory_space<hbm>> -> memref<2512xi32, #tpu.memory_space<hbm>>
    %dma_wait3A_227 = arith.constant 0 : i32
    %dma_wait3A_228 = tpu.memref_slice %arg3[%dma_wait3A_227] : memref<600000xi32, #tpu.memory_space<hbm>> -> memref<2512xi32, #tpu.memory_space<hbm>>
    tpu.wait_dma2 semaphore(%arg14 : memref<!tpu.dma_semaphore, #tpu.memory_space<semaphore_mem>>) src(%dma_wait3A_228 : memref<2512xi32, #tpu.memory_space<hbm>>) dst(%arg9 : memref<2512xi32, #tpu.memory_space<vmem>>)
    %dma_wait3A_229 = arith.constant 0 : i32
    %dma_wait3A_230 = tpu.memref_slice %arg3[%dma_wait3A_229] : memref<600000xi32, #tpu.memory_space<hbm>> -> memref<2512xi32, #tpu.memory_space<hbm>>
    %dma_wait3A_231 = arith.constant 0 : i32
    %dma_wait3A_232 = tpu.memref_slice %arg3[%dma_wait3A_231] : memref<600000xi32, #tpu.memory_space<hbm>> -> memref<2512xi32, #tpu.memory_space<hbm>>
    tpu.wait_dma2 semaphore(%arg14 : memref<!tpu.dma_semaphore, #tpu.memory_space<semaphore_mem>>) src(%dma_wait3A_232 : memref<2512xi32, #tpu.memory_space<hbm>>) dst(%arg10 : memref<2512xi32, #tpu.memory_space<vmem>>)
    %dma_wait3A_233 = arith.constant 0 : i32
    %dma_wait3A_234 = tpu.memref_slice %arg3[%dma_wait3A_233] : memref<600000xi32, #tpu.memory_space<hbm>> -> memref<2512xi32, #tpu.memory_space<hbm>>
    %dma_wait3A_235 = arith.constant 0 : i32
    %dma_wait3A_236 = tpu.memref_slice %arg3[%dma_wait3A_235] : memref<600000xi32, #tpu.memory_space<hbm>> -> memref<2512xi32, #tpu.memory_space<hbm>>
    tpu.wait_dma2 semaphore(%arg14 : memref<!tpu.dma_semaphore, #tpu.memory_space<semaphore_mem>>) src(%dma_wait3A_236 : memref<2512xi32, #tpu.memory_space<hbm>>) dst(%arg11 : memref<2512xi32, #tpu.memory_space<vmem>>)
    %dma_wait3A_237 = arith.constant 0 : i32
    %dma_wait3A_238 = tpu.memref_slice %arg13[%dma_wait3A_237] : memref<2512xf32, #tpu.memory_space<vmem>> -> memref<2512xf32, #tpu.memory_space<vmem>>
    %dma_wait3A_239 = arith.constant 0 : i32
    %dma_wait3A_240 = tpu.memref_slice %arg4[%dma_wait3A_239] : memref<900000xf32, #tpu.memory_space<hbm>> -> memref<2512xf32, #tpu.memory_space<hbm>>
    %dma_wait3A_241 = arith.constant 0 : i32
    %dma_wait3A_242 = tpu.memref_slice %arg4[%dma_wait3A_241] : memref<900000xf32, #tpu.memory_space<hbm>> -> memref<2512xf32, #tpu.memory_space<hbm>>
    %dma_wait3A_243 = arith.constant 0 : i32
    %dma_wait3A_244 = tpu.memref_slice %arg13[%dma_wait3A_243] : memref<2512xf32, #tpu.memory_space<vmem>> -> memref<2512xf32, #tpu.memory_space<vmem>>
    tpu.wait_dma2 semaphore(%arg15 : memref<!tpu.dma_semaphore, #tpu.memory_space<semaphore_mem>>) src(%dma_wait3A_244 : memref<2512xf32, #tpu.memory_space<vmem>>) dst(%dma_wait3A_242 : memref<2512xf32, #tpu.memory_space<hbm>>)
    %scan3A_245 = arith.constant 0 : i32
    %scan3A_246 = arith.constant 0 : i32
    %scan3A_247 = arith.constant 157 : i32
    %scan3A_248 = arith.addi %scan3A_246, %scan3A_247 : i32
    %scan3A_249 = arith.constant 1 : i32
    %scan3A_250 = scf.for %scan3A_483 = %scan3A_246 to %scan3A_248 step %scan3A_249 iter_args(%scan3A_484 = %scan3A_245) -> (i32)  : i32 {
      %mul3A_485 = arith.constant 16 : i32
      %mul3A_486 = arith.muli %scan3A_483, %mul3A_485 : i32
      %get3A = arith.index_cast %mul3A_486 : i32 to index
      %get3A_487 = tpu.vector_load %arg9[%get3A] {strides = array<i32>} : memref<2512xi32, #tpu.memory_space<vmem>>, vector<16xi32>,
      %gather3A = tpu.vector_load_idx %arg5[%get3A_487] : memref<100000xf32, #tpu.memory_space<vmem>>[vector<16xi32>], vector<16xf32>,
      %get3A_488 = arith.index_cast %mul3A_486 : i32 to index
      %get3A_489 = tpu.vector_load %arg10[%get3A_488] {strides = array<i32>} : memref<2512xi32, #tpu.memory_space<vmem>>, vector<16xi32>,
      %gather3A_490 = tpu.vector_load_idx %arg5[%get3A_489] : memref<100000xf32, #tpu.memory_space<vmem>>[vector<16xi32>], vector<16xf32>,
      %get3A_491 = arith.index_cast %mul3A_486 : i32 to index
      %get3A_492 = tpu.vector_load %arg11[%get3A_491] {strides = array<i32>} : memref<2512xi32, #tpu.memory_space<vmem>>, vector<16xi32>,
      %gather3A_493 = tpu.vector_load_idx %arg5[%get3A_492] : memref<100000xf32, #tpu.memory_space<vmem>>[vector<16xi32>], vector<16xf32>,
      %add3A_494 = arith.addf %gather3A, %gather3A_490 : vector<16xf32>
      %add3A_495 = arith.addf %add3A_494, %gather3A_493 : vector<16xf32>
      %div3A_496 = arith.constant 3.000000e+00 : f32
      %div3A_497 = vector.broadcast %div3A_496 : f32 to vector<16xf32>
      %div3A_498 = arith.divf %add3A_495, %div3A_497 : vector<16xf32>
      %swap3A = arith.index_cast %mul3A_486 : i32 to index
      %swap3A_499 = tpu.vector_load %arg13[%swap3A] {strides = array<i32>} : memref<2512xf32, #tpu.memory_space<vmem>>, vector<16xf32>,
      tpu.vector_store %arg13[%swap3A], %div3A_498 {strides = array<i32>} : memref<2512xf32, #tpu.memory_space<vmem>>, vector<16xf32>,
      %scan3A_500 = arith.constant 0 : i32
      scf.yield %scan3A_500 : i32
    }
    %scan3A_251 = arith.constant 157 : i32
    %add3A_252 = arith.constant 7536 : i32
    %add3A_253 = arith.addi %min3A_51, %add3A_252 : i32
    %mul3A_254 = arith.constant 300000 : i32
    %mul3A_255 = arith.muli %min3A_33, %mul3A_254 : i32
    %add3A_256 = arith.constant 100000 : i32
    %add3A_257 = arith.addi %mul3A_255, %add3A_256 : i32
    %add3A_258 = arith.addi %add3A_257, %add3A_253 : i32
    %dma_start3A_259 = arith.constant 0 : i32
    %dma_start3A_260 = tpu.memref_slice %arg13[%dma_start3A_259] : memref<2512xf32, #tpu.memory_space<vmem>> -> memref<2512xf32, #tpu.memory_space<vmem>>
    %dma_start3A_261 = tpu.memref_slice %arg4[%add3A_258] : memref<900000xf32, #tpu.memory_space<hbm>> -> memref<2512xf32, #tpu.memory_space<hbm>>
    %dma_start3A_262 = tpu.memref_slice %arg4[%add3A_258] : memref<900000xf32, #tpu.memory_space<hbm>> -> memref<2512xf32, #tpu.memory_space<hbm>>
    %dma_start3A_263 = arith.constant 0 : i32
    %dma_start3A_264 = tpu.memref_slice %arg13[%dma_start3A_263] : memref<2512xf32, #tpu.memory_space<vmem>> -> memref<2512xf32, #tpu.memory_space<vmem>>
    tpu.enqueue_dma source(%dma_start3A_264 : memref<2512xf32, #tpu.memory_space<vmem>>) target(%dma_start3A_262 : memref<2512xf32, #tpu.memory_space<hbm>>) target_semaphore(%arg15 : memref<!tpu.dma_semaphore, #tpu.memory_space<semaphore_mem>>)
    %add3A_265 = arith.constant 12560 : i32
    %add3A_266 = arith.addi %min3A_51, %add3A_265 : i32
    %add3A_267 = arith.constant 0 : i32
    %add3A_268 = arith.addi %add3A_267, %add3A_266 : i32
    %dma_start3A_269 = tpu.memref_slice %arg3[%add3A_268] : memref<600000xi32, #tpu.memory_space<hbm>> -> memref<2512xi32, #tpu.memory_space<hbm>>
    %dma_start3A_270 = tpu.memref_slice %arg3[%add3A_268] : memref<600000xi32, #tpu.memory_space<hbm>> -> memref<2512xi32, #tpu.memory_space<hbm>>
    tpu.enqueue_dma source(%dma_start3A_270 : memref<2512xi32, #tpu.memory_space<hbm>>) target(%arg9 : memref<2512xi32, #tpu.memory_space<vmem>>) target_semaphore(%arg14 : memref<!tpu.dma_semaphore, #tpu.memory_space<semaphore_mem>>)
    %add3A_271 = arith.constant 200000 : i32
    %add3A_272 = arith.addi %add3A_271, %add3A_266 : i32
    %dma_start3A_273 = tpu.memref_slice %arg3[%add3A_272] : memref<600000xi32, #tpu.memory_space<hbm>> -> memref<2512xi32, #tpu.memory_space<hbm>>
    %dma_start3A_274 = tpu.memref_slice %arg3[%add3A_272] : memref<600000xi32, #tpu.memory_space<hbm>> -> memref<2512xi32, #tpu.memory_space<hbm>>
    tpu.enqueue_dma source(%dma_start3A_274 : memref<2512xi32, #tpu.memory_space<hbm>>) target(%arg10 : memref<2512xi32, #tpu.memory_space<vmem>>) target_semaphore(%arg14 : memref<!tpu.dma_semaphore, #tpu.memory_space<semaphore_mem>>)
    %add3A_275 = arith.constant 400000 : i32
    %add3A_276 = arith.addi %add3A_275, %add3A_266 : i32
    %dma_start3A_277 = tpu.memref_slice %arg3[%add3A_276] : memref<600000xi32, #tpu.memory_space<hbm>> -> memref<2512xi32, #tpu.memory_space<hbm>>
    %dma_start3A_278 = tpu.memref_slice %arg3[%add3A_276] : memref<600000xi32, #tpu.memory_space<hbm>> -> memref<2512xi32, #tpu.memory_space<hbm>>
    tpu.enqueue_dma source(%dma_start3A_278 : memref<2512xi32, #tpu.memory_space<hbm>>) target(%arg11 : memref<2512xi32, #tpu.memory_space<vmem>>) target_semaphore(%arg14 : memref<!tpu.dma_semaphore, #tpu.memory_space<semaphore_mem>>)
    %dma_wait3A_279 = arith.constant 0 : i32
    %dma_wait3A_280 = tpu.memref_slice %arg3[%dma_wait3A_279] : memref<600000xi32, #tpu.memory_space<hbm>> -> memref<2512xi32, #tpu.memory_space<hbm>>
    %dma_wait3A_281 = arith.constant 0 : i32
    %dma_wait3A_282 = tpu.memref_slice %arg3[%dma_wait3A_281] : memref<600000xi32, #tpu.memory_space<hbm>> -> memref<2512xi32, #tpu.memory_space<hbm>>
    tpu.wait_dma2 semaphore(%arg14 : memref<!tpu.dma_semaphore, #tpu.memory_space<semaphore_mem>>) src(%dma_wait3A_282 : memref<2512xi32, #tpu.memory_space<hbm>>) dst(%arg6 : memref<2512xi32, #tpu.memory_space<vmem>>)
    %dma_wait3A_283 = arith.constant 0 : i32
    %dma_wait3A_284 = tpu.memref_slice %arg3[%dma_wait3A_283] : memref<600000xi32, #tpu.memory_space<hbm>> -> memref<2512xi32, #tpu.memory_space<hbm>>
    %dma_wait3A_285 = arith.constant 0 : i32
    %dma_wait3A_286 = tpu.memref_slice %arg3[%dma_wait3A_285] : memref<600000xi32, #tpu.memory_space<hbm>> -> memref<2512xi32, #tpu.memory_space<hbm>>
    tpu.wait_dma2 semaphore(%arg14 : memref<!tpu.dma_semaphore, #tpu.memory_space<semaphore_mem>>) src(%dma_wait3A_286 : memref<2512xi32, #tpu.memory_space<hbm>>) dst(%arg7 : memref<2512xi32, #tpu.memory_space<vmem>>)
    %dma_wait3A_287 = arith.constant 0 : i32
    %dma_wait3A_288 = tpu.memref_slice %arg3[%dma_wait3A_287] : memref<600000xi32, #tpu.memory_space<hbm>> -> memref<2512xi32, #tpu.memory_space<hbm>>
    %dma_wait3A_289 = arith.constant 0 : i32
    %dma_wait3A_290 = tpu.memref_slice %arg3[%dma_wait3A_289] : memref<600000xi32, #tpu.memory_space<hbm>> -> memref<2512xi32, #tpu.memory_space<hbm>>
    tpu.wait_dma2 semaphore(%arg14 : memref<!tpu.dma_semaphore, #tpu.memory_space<semaphore_mem>>) src(%dma_wait3A_290 : memref<2512xi32, #tpu.memory_space<hbm>>) dst(%arg8 : memref<2512xi32, #tpu.memory_space<vmem>>)
    %dma_wait3A_291 = arith.constant 0 : i32
    %dma_wait3A_292 = tpu.memref_slice %arg12[%dma_wait3A_291] : memref<3136xf32, #tpu.memory_space<vmem>> -> memref<2512xf32, #tpu.memory_space<vmem>>
    %dma_wait3A_293 = arith.constant 0 : i32
    %dma_wait3A_294 = tpu.memref_slice %arg4[%dma_wait3A_293] : memref<900000xf32, #tpu.memory_space<hbm>> -> memref<2512xf32, #tpu.memory_space<hbm>>
    %dma_wait3A_295 = arith.constant 0 : i32
    %dma_wait3A_296 = tpu.memref_slice %arg4[%dma_wait3A_295] : memref<900000xf32, #tpu.memory_space<hbm>> -> memref<2512xf32, #tpu.memory_space<hbm>>
    %dma_wait3A_297 = arith.constant 0 : i32
    %dma_wait3A_298 = tpu.memref_slice %arg12[%dma_wait3A_297] : memref<3136xf32, #tpu.memory_space<vmem>> -> memref<2512xf32, #tpu.memory_space<vmem>>
    tpu.wait_dma2 semaphore(%arg15 : memref<!tpu.dma_semaphore, #tpu.memory_space<semaphore_mem>>) src(%dma_wait3A_298 : memref<2512xf32, #tpu.memory_space<vmem>>) dst(%dma_wait3A_296 : memref<2512xf32, #tpu.memory_space<hbm>>)
    %scan3A_299 = arith.constant 0 : i32
    %scan3A_300 = arith.constant 0 : i32
    %scan3A_301 = arith.constant 157 : i32
    %scan3A_302 = arith.addi %scan3A_300, %scan3A_301 : i32
    %scan3A_303 = arith.constant 1 : i32
    %scan3A_304 = scf.for %scan3A_483 = %scan3A_300 to %scan3A_302 step %scan3A_303 iter_args(%scan3A_484 = %scan3A_299) -> (i32)  : i32 {
      %mul3A_485 = arith.constant 16 : i32
      %mul3A_486 = arith.muli %scan3A_483, %mul3A_485 : i32
      %get3A = arith.index_cast %mul3A_486 : i32 to index
      %get3A_487 = tpu.vector_load %arg6[%get3A] {strides = array<i32>} : memref<2512xi32, #tpu.memory_space<vmem>>, vector<16xi32>,
      %gather3A = tpu.vector_load_idx %arg5[%get3A_487] : memref<100000xf32, #tpu.memory_space<vmem>>[vector<16xi32>], vector<16xf32>,
      %get3A_488 = arith.index_cast %mul3A_486 : i32 to index
      %get3A_489 = tpu.vector_load %arg7[%get3A_488] {strides = array<i32>} : memref<2512xi32, #tpu.memory_space<vmem>>, vector<16xi32>,
      %gather3A_490 = tpu.vector_load_idx %arg5[%get3A_489] : memref<100000xf32, #tpu.memory_space<vmem>>[vector<16xi32>], vector<16xf32>,
      %get3A_491 = arith.index_cast %mul3A_486 : i32 to index
      %get3A_492 = tpu.vector_load %arg8[%get3A_491] {strides = array<i32>} : memref<2512xi32, #tpu.memory_space<vmem>>, vector<16xi32>,
      %gather3A_493 = tpu.vector_load_idx %arg5[%get3A_492] : memref<100000xf32, #tpu.memory_space<vmem>>[vector<16xi32>], vector<16xf32>,
      %add3A_494 = arith.addf %gather3A, %gather3A_490 : vector<16xf32>
      %add3A_495 = arith.addf %add3A_494, %gather3A_493 : vector<16xf32>
      %div3A_496 = arith.constant 3.000000e+00 : f32
      %div3A_497 = vector.broadcast %div3A_496 : f32 to vector<16xf32>
      %div3A_498 = arith.divf %add3A_495, %div3A_497 : vector<16xf32>
      %swap3A = arith.index_cast %mul3A_486 : i32 to index
      %swap3A_499 = tpu.vector_load %arg12[%swap3A] {strides = array<i32>} : memref<3136xf32, #tpu.memory_space<vmem>>, vector<16xf32>,
      tpu.vector_store %arg12[%swap3A], %div3A_498 {strides = array<i32>} : memref<3136xf32, #tpu.memory_space<vmem>>, vector<16xf32>,
      %scan3A_500 = arith.constant 0 : i32
      scf.yield %scan3A_500 : i32
    }
    %scan3A_305 = arith.constant 157 : i32
    %add3A_306 = arith.constant 10048 : i32
    %add3A_307 = arith.addi %min3A_51, %add3A_306 : i32
    %mul3A_308 = arith.constant 300000 : i32
    %mul3A_309 = arith.muli %min3A_33, %mul3A_308 : i32
    %add3A_310 = arith.constant 100000 : i32
    %add3A_311 = arith.addi %mul3A_309, %add3A_310 : i32
    %add3A_312 = arith.addi %add3A_311, %add3A_307 : i32
    %dma_start3A_313 = arith.constant 0 : i32
    %dma_start3A_314 = tpu.memref_slice %arg12[%dma_start3A_313] : memref<3136xf32, #tpu.memory_space<vmem>> -> memref<2512xf32, #tpu.memory_space<vmem>>
    %dma_start3A_315 = tpu.memref_slice %arg4[%add3A_312] : memref<900000xf32, #tpu.memory_space<hbm>> -> memref<2512xf32, #tpu.memory_space<hbm>>
    %dma_start3A_316 = tpu.memref_slice %arg4[%add3A_312] : memref<900000xf32, #tpu.memory_space<hbm>> -> memref<2512xf32, #tpu.memory_space<hbm>>
    %dma_start3A_317 = arith.constant 0 : i32
    %dma_start3A_318 = tpu.memref_slice %arg12[%dma_start3A_317] : memref<3136xf32, #tpu.memory_space<vmem>> -> memref<2512xf32, #tpu.memory_space<vmem>>
    tpu.enqueue_dma source(%dma_start3A_318 : memref<2512xf32, #tpu.memory_space<vmem>>) target(%dma_start3A_316 : memref<2512xf32, #tpu.memory_space<hbm>>) target_semaphore(%arg15 : memref<!tpu.dma_semaphore, #tpu.memory_space<semaphore_mem>>)
    %add3A_319 = arith.constant 15072 : i32
    %add3A_320 = arith.addi %min3A_51, %add3A_319 : i32
    %add3A_321 = arith.constant 0 : i32
    %add3A_322 = arith.addi %add3A_321, %add3A_320 : i32
    %dma_start3A_323 = tpu.memref_slice %arg3[%add3A_322] : memref<600000xi32, #tpu.memory_space<hbm>> -> memref<2512xi32, #tpu.memory_space<hbm>>
    %dma_start3A_324 = tpu.memref_slice %arg3[%add3A_322] : memref<600000xi32, #tpu.memory_space<hbm>> -> memref<2512xi32, #tpu.memory_space<hbm>>
    tpu.enqueue_dma source(%dma_start3A_324 : memref<2512xi32, #tpu.memory_space<hbm>>) target(%arg6 : memref<2512xi32, #tpu.memory_space<vmem>>) target_semaphore(%arg14 : memref<!tpu.dma_semaphore, #tpu.memory_space<semaphore_mem>>)
    %add3A_325 = arith.constant 200000 : i32
    %add3A_326 = arith.addi %add3A_325, %add3A_320 : i32
    %dma_start3A_327 = tpu.memref_slice %arg3[%add3A_326] : memref<600000xi32, #tpu.memory_space<hbm>> -> memref<2512xi32, #tpu.memory_space<hbm>>
    %dma_start3A_328 = tpu.memref_slice %arg3[%add3A_326] : memref<600000xi32, #tpu.memory_space<hbm>> -> memref<2512xi32, #tpu.memory_space<hbm>>
    tpu.enqueue_dma source(%dma_start3A_328 : memref<2512xi32, #tpu.memory_space<hbm>>) target(%arg7 : memref<2512xi32, #tpu.memory_space<vmem>>) target_semaphore(%arg14 : memref<!tpu.dma_semaphore, #tpu.memory_space<semaphore_mem>>)
    %add3A_329 = arith.constant 400000 : i32
    %add3A_330 = arith.addi %add3A_329, %add3A_320 : i32
    %dma_start3A_331 = tpu.memref_slice %arg3[%add3A_330] : memref<600000xi32, #tpu.memory_space<hbm>> -> memref<2512xi32, #tpu.memory_space<hbm>>
    %dma_start3A_332 = tpu.memref_slice %arg3[%add3A_330] : memref<600000xi32, #tpu.memory_space<hbm>> -> memref<2512xi32, #tpu.memory_space<hbm>>
    tpu.enqueue_dma source(%dma_start3A_332 : memref<2512xi32, #tpu.memory_space<hbm>>) target(%arg8 : memref<2512xi32, #tpu.memory_space<vmem>>) target_semaphore(%arg14 : memref<!tpu.dma_semaphore, #tpu.memory_space<semaphore_mem>>)
    %dma_wait3A_333 = arith.constant 0 : i32
    %dma_wait3A_334 = tpu.memref_slice %arg3[%dma_wait3A_333] : memref<600000xi32, #tpu.memory_space<hbm>> -> memref<2512xi32, #tpu.memory_space<hbm>>
    %dma_wait3A_335 = arith.constant 0 : i32
    %dma_wait3A_336 = tpu.memref_slice %arg3[%dma_wait3A_335] : memref<600000xi32, #tpu.memory_space<hbm>> -> memref<2512xi32, #tpu.memory_space<hbm>>
    tpu.wait_dma2 semaphore(%arg14 : memref<!tpu.dma_semaphore, #tpu.memory_space<semaphore_mem>>) src(%dma_wait3A_336 : memref<2512xi32, #tpu.memory_space<hbm>>) dst(%arg9 : memref<2512xi32, #tpu.memory_space<vmem>>)
    %dma_wait3A_337 = arith.constant 0 : i32
    %dma_wait3A_338 = tpu.memref_slice %arg3[%dma_wait3A_337] : memref<600000xi32, #tpu.memory_space<hbm>> -> memref<2512xi32, #tpu.memory_space<hbm>>
    %dma_wait3A_339 = arith.constant 0 : i32
    %dma_wait3A_340 = tpu.memref_slice %arg3[%dma_wait3A_339] : memref<600000xi32, #tpu.memory_space<hbm>> -> memref<2512xi32, #tpu.memory_space<hbm>>
    tpu.wait_dma2 semaphore(%arg14 : memref<!tpu.dma_semaphore, #tpu.memory_space<semaphore_mem>>) src(%dma_wait3A_340 : memref<2512xi32, #tpu.memory_space<hbm>>) dst(%arg10 : memref<2512xi32, #tpu.memory_space<vmem>>)
    %dma_wait3A_341 = arith.constant 0 : i32
    %dma_wait3A_342 = tpu.memref_slice %arg3[%dma_wait3A_341] : memref<600000xi32, #tpu.memory_space<hbm>> -> memref<2512xi32, #tpu.memory_space<hbm>>
    %dma_wait3A_343 = arith.constant 0 : i32
    %dma_wait3A_344 = tpu.memref_slice %arg3[%dma_wait3A_343] : memref<600000xi32, #tpu.memory_space<hbm>> -> memref<2512xi32, #tpu.memory_space<hbm>>
    tpu.wait_dma2 semaphore(%arg14 : memref<!tpu.dma_semaphore, #tpu.memory_space<semaphore_mem>>) src(%dma_wait3A_344 : memref<2512xi32, #tpu.memory_space<hbm>>) dst(%arg11 : memref<2512xi32, #tpu.memory_space<vmem>>)
    %dma_wait3A_345 = arith.constant 0 : i32
    %dma_wait3A_346 = tpu.memref_slice %arg13[%dma_wait3A_345] : memref<2512xf32, #tpu.memory_space<vmem>> -> memref<2512xf32, #tpu.memory_space<vmem>>
    %dma_wait3A_347 = arith.constant 0 : i32
    %dma_wait3A_348 = tpu.memref_slice %arg4[%dma_wait3A_347] : memref<900000xf32, #tpu.memory_space<hbm>> -> memref<2512xf32, #tpu.memory_space<hbm>>
    %dma_wait3A_349 = arith.constant 0 : i32
    %dma_wait3A_350 = tpu.memref_slice %arg4[%dma_wait3A_349] : memref<900000xf32, #tpu.memory_space<hbm>> -> memref<2512xf32, #tpu.memory_space<hbm>>
    %dma_wait3A_351 = arith.constant 0 : i32
    %dma_wait3A_352 = tpu.memref_slice %arg13[%dma_wait3A_351] : memref<2512xf32, #tpu.memory_space<vmem>> -> memref<2512xf32, #tpu.memory_space<vmem>>
    tpu.wait_dma2 semaphore(%arg15 : memref<!tpu.dma_semaphore, #tpu.memory_space<semaphore_mem>>) src(%dma_wait3A_352 : memref<2512xf32, #tpu.memory_space<vmem>>) dst(%dma_wait3A_350 : memref<2512xf32, #tpu.memory_space<hbm>>)
    %scan3A_353 = arith.constant 0 : i32
    %scan3A_354 = arith.constant 0 : i32
    %scan3A_355 = arith.constant 157 : i32
    %scan3A_356 = arith.addi %scan3A_354, %scan3A_355 : i32
    %scan3A_357 = arith.constant 1 : i32
    %scan3A_358 = scf.for %scan3A_483 = %scan3A_354 to %scan3A_356 step %scan3A_357 iter_args(%scan3A_484 = %scan3A_353) -> (i32)  : i32 {
      %mul3A_485 = arith.constant 16 : i32
      %mul3A_486 = arith.muli %scan3A_483, %mul3A_485 : i32
      %get3A = arith.index_cast %mul3A_486 : i32 to index
      %get3A_487 = tpu.vector_load %arg9[%get3A] {strides = array<i32>} : memref<2512xi32, #tpu.memory_space<vmem>>, vector<16xi32>,
      %gather3A = tpu.vector_load_idx %arg5[%get3A_487] : memref<100000xf32, #tpu.memory_space<vmem>>[vector<16xi32>], vector<16xf32>,
      %get3A_488 = arith.index_cast %mul3A_486 : i32 to index
      %get3A_489 = tpu.vector_load %arg10[%get3A_488] {strides = array<i32>} : memref<2512xi32, #tpu.memory_space<vmem>>, vector<16xi32>,
      %gather3A_490 = tpu.vector_load_idx %arg5[%get3A_489] : memref<100000xf32, #tpu.memory_space<vmem>>[vector<16xi32>], vector<16xf32>,
      %get3A_491 = arith.index_cast %mul3A_486 : i32 to index
      %get3A_492 = tpu.vector_load %arg11[%get3A_491] {strides = array<i32>} : memref<2512xi32, #tpu.memory_space<vmem>>, vector<16xi32>,
      %gather3A_493 = tpu.vector_load_idx %arg5[%get3A_492] : memref<100000xf32, #tpu.memory_space<vmem>>[vector<16xi32>], vector<16xf32>,
      %add3A_494 = arith.addf %gather3A, %gather3A_490 : vector<16xf32>
      %add3A_495 = arith.addf %add3A_494, %gather3A_493 : vector<16xf32>
      %div3A_496 = arith.constant 3.000000e+00 : f32
      %div3A_497 = vector.broadcast %div3A_496 : f32 to vector<16xf32>
      %div3A_498 = arith.divf %add3A_495, %div3A_497 : vector<16xf32>
      %swap3A = arith.index_cast %mul3A_486 : i32 to index
      %swap3A_499 = tpu.vector_load %arg13[%swap3A] {strides = array<i32>} : memref<2512xf32, #tpu.memory_space<vmem>>, vector<16xf32>,
      tpu.vector_store %arg13[%swap3A], %div3A_498 {strides = array<i32>} : memref<2512xf32, #tpu.memory_space<vmem>>, vector<16xf32>,
      %scan3A_500 = arith.constant 0 : i32
      scf.yield %scan3A_500 : i32
    }
    %scan3A_359 = arith.constant 157 : i32
    %add3A_360 = arith.constant 12560 : i32
    %add3A_361 = arith.addi %min3A_51, %add3A_360 : i32
    %mul3A_362 = arith.constant 300000 : i32
    %mul3A_363 = arith.muli %min3A_33, %mul3A_362 : i32
    %add3A_364 = arith.constant 100000 : i32
    %add3A_365 = arith.addi %mul3A_363, %add3A_364 : i32
    %add3A_366 = arith.addi %add3A_365, %add3A_361 : i32
    %dma_start3A_367 = arith.constant 0 : i32
    %dma_start3A_368 = tpu.memref_slice %arg13[%dma_start3A_367] : memref<2512xf32, #tpu.memory_space<vmem>> -> memref<2512xf32, #tpu.memory_space<vmem>>
    %dma_start3A_369 = tpu.memref_slice %arg4[%add3A_366] : memref<900000xf32, #tpu.memory_space<hbm>> -> memref<2512xf32, #tpu.memory_space<hbm>>
    %dma_start3A_370 = tpu.memref_slice %arg4[%add3A_366] : memref<900000xf32, #tpu.memory_space<hbm>> -> memref<2512xf32, #tpu.memory_space<hbm>>
    %dma_start3A_371 = arith.constant 0 : i32
    %dma_start3A_372 = tpu.memref_slice %arg13[%dma_start3A_371] : memref<2512xf32, #tpu.memory_space<vmem>> -> memref<2512xf32, #tpu.memory_space<vmem>>
    tpu.enqueue_dma source(%dma_start3A_372 : memref<2512xf32, #tpu.memory_space<vmem>>) target(%dma_start3A_370 : memref<2512xf32, #tpu.memory_space<hbm>>) target_semaphore(%arg15 : memref<!tpu.dma_semaphore, #tpu.memory_space<semaphore_mem>>)
    %add3A_373 = arith.constant 17584 : i32
    %add3A_374 = arith.addi %min3A_51, %add3A_373 : i32
    %add3A_375 = arith.constant 0 : i32
    %add3A_376 = arith.addi %add3A_375, %add3A_374 : i32
    %dma_start3A_377 = tpu.memref_slice %arg3[%add3A_376] : memref<600000xi32, #tpu.memory_space<hbm>> -> memref<2512xi32, #tpu.memory_space<hbm>>
    %dma_start3A_378 = tpu.memref_slice %arg3[%add3A_376] : memref<600000xi32, #tpu.memory_space<hbm>> -> memref<2512xi32, #tpu.memory_space<hbm>>
    tpu.enqueue_dma source(%dma_start3A_378 : memref<2512xi32, #tpu.memory_space<hbm>>) target(%arg9 : memref<2512xi32, #tpu.memory_space<vmem>>) target_semaphore(%arg14 : memref<!tpu.dma_semaphore, #tpu.memory_space<semaphore_mem>>)
    %add3A_379 = arith.constant 200000 : i32
    %add3A_380 = arith.addi %add3A_379, %add3A_374 : i32
    %dma_start3A_381 = tpu.memref_slice %arg3[%add3A_380] : memref<600000xi32, #tpu.memory_space<hbm>> -> memref<2512xi32, #tpu.memory_space<hbm>>
    %dma_start3A_382 = tpu.memref_slice %arg3[%add3A_380] : memref<600000xi32, #tpu.memory_space<hbm>> -> memref<2512xi32, #tpu.memory_space<hbm>>
    tpu.enqueue_dma source(%dma_start3A_382 : memref<2512xi32, #tpu.memory_space<hbm>>) target(%arg10 : memref<2512xi32, #tpu.memory_space<vmem>>) target_semaphore(%arg14 : memref<!tpu.dma_semaphore, #tpu.memory_space<semaphore_mem>>)
    %add3A_383 = arith.constant 400000 : i32
    %add3A_384 = arith.addi %add3A_383, %add3A_374 : i32
    %dma_start3A_385 = tpu.memref_slice %arg3[%add3A_384] : memref<600000xi32, #tpu.memory_space<hbm>> -> memref<2512xi32, #tpu.memory_space<hbm>>
    %dma_start3A_386 = tpu.memref_slice %arg3[%add3A_384] : memref<600000xi32, #tpu.memory_space<hbm>> -> memref<2512xi32, #tpu.memory_space<hbm>>
    tpu.enqueue_dma source(%dma_start3A_386 : memref<2512xi32, #tpu.memory_space<hbm>>) target(%arg11 : memref<2512xi32, #tpu.memory_space<vmem>>) target_semaphore(%arg14 : memref<!tpu.dma_semaphore, #tpu.memory_space<semaphore_mem>>)
    %dma_wait3A_387 = arith.constant 0 : i32
    %dma_wait3A_388 = tpu.memref_slice %arg3[%dma_wait3A_387] : memref<600000xi32, #tpu.memory_space<hbm>> -> memref<2512xi32, #tpu.memory_space<hbm>>
    %dma_wait3A_389 = arith.constant 0 : i32
    %dma_wait3A_390 = tpu.memref_slice %arg3[%dma_wait3A_389] : memref<600000xi32, #tpu.memory_space<hbm>> -> memref<2512xi32, #tpu.memory_space<hbm>>
    tpu.wait_dma2 semaphore(%arg14 : memref<!tpu.dma_semaphore, #tpu.memory_space<semaphore_mem>>) src(%dma_wait3A_390 : memref<2512xi32, #tpu.memory_space<hbm>>) dst(%arg6 : memref<2512xi32, #tpu.memory_space<vmem>>)
    %dma_wait3A_391 = arith.constant 0 : i32
    %dma_wait3A_392 = tpu.memref_slice %arg3[%dma_wait3A_391] : memref<600000xi32, #tpu.memory_space<hbm>> -> memref<2512xi32, #tpu.memory_space<hbm>>
    %dma_wait3A_393 = arith.constant 0 : i32
    %dma_wait3A_394 = tpu.memref_slice %arg3[%dma_wait3A_393] : memref<600000xi32, #tpu.memory_space<hbm>> -> memref<2512xi32, #tpu.memory_space<hbm>>
    tpu.wait_dma2 semaphore(%arg14 : memref<!tpu.dma_semaphore, #tpu.memory_space<semaphore_mem>>) src(%dma_wait3A_394 : memref<2512xi32, #tpu.memory_space<hbm>>) dst(%arg7 : memref<2512xi32, #tpu.memory_space<vmem>>)
    %dma_wait3A_395 = arith.constant 0 : i32
    %dma_wait3A_396 = tpu.memref_slice %arg3[%dma_wait3A_395] : memref<600000xi32, #tpu.memory_space<hbm>> -> memref<2512xi32, #tpu.memory_space<hbm>>
    %dma_wait3A_397 = arith.constant 0 : i32
    %dma_wait3A_398 = tpu.memref_slice %arg3[%dma_wait3A_397] : memref<600000xi32, #tpu.memory_space<hbm>> -> memref<2512xi32, #tpu.memory_space<hbm>>
    tpu.wait_dma2 semaphore(%arg14 : memref<!tpu.dma_semaphore, #tpu.memory_space<semaphore_mem>>) src(%dma_wait3A_398 : memref<2512xi32, #tpu.memory_space<hbm>>) dst(%arg8 : memref<2512xi32, #tpu.memory_space<vmem>>)
    %dma_wait3A_399 = arith.constant 0 : i32
    %dma_wait3A_400 = tpu.memref_slice %arg12[%dma_wait3A_399] : memref<3136xf32, #tpu.memory_space<vmem>> -> memref<2512xf32, #tpu.memory_space<vmem>>
    %dma_wait3A_401 = arith.constant 0 : i32
    %dma_wait3A_402 = tpu.memref_slice %arg4[%dma_wait3A_401] : memref<900000xf32, #tpu.memory_space<hbm>> -> memref<2512xf32, #tpu.memory_space<hbm>>
    %dma_wait3A_403 = arith.constant 0 : i32
    %dma_wait3A_404 = tpu.memref_slice %arg4[%dma_wait3A_403] : memref<900000xf32, #tpu.memory_space<hbm>> -> memref<2512xf32, #tpu.memory_space<hbm>>
    %dma_wait3A_405 = arith.constant 0 : i32
    %dma_wait3A_406 = tpu.memref_slice %arg12[%dma_wait3A_405] : memref<3136xf32, #tpu.memory_space<vmem>> -> memref<2512xf32, #tpu.memory_space<vmem>>
    tpu.wait_dma2 semaphore(%arg15 : memref<!tpu.dma_semaphore, #tpu.memory_space<semaphore_mem>>) src(%dma_wait3A_406 : memref<2512xf32, #tpu.memory_space<vmem>>) dst(%dma_wait3A_404 : memref<2512xf32, #tpu.memory_space<hbm>>)
    %scan3A_407 = arith.constant 0 : i32
    %scan3A_408 = arith.constant 0 : i32
    %scan3A_409 = arith.constant 157 : i32
    %scan3A_410 = arith.addi %scan3A_408, %scan3A_409 : i32
    %scan3A_411 = arith.constant 1 : i32
    %scan3A_412 = scf.for %scan3A_483 = %scan3A_408 to %scan3A_410 step %scan3A_411 iter_args(%scan3A_484 = %scan3A_407) -> (i32)  : i32 {
      %mul3A_485 = arith.constant 16 : i32
      %mul3A_486 = arith.muli %scan3A_483, %mul3A_485 : i32
      %get3A = arith.index_cast %mul3A_486 : i32 to index
      %get3A_487 = tpu.vector_load %arg6[%get3A] {strides = array<i32>} : memref<2512xi32, #tpu.memory_space<vmem>>, vector<16xi32>,
      %gather3A = tpu.vector_load_idx %arg5[%get3A_487] : memref<100000xf32, #tpu.memory_space<vmem>>[vector<16xi32>], vector<16xf32>,
      %get3A_488 = arith.index_cast %mul3A_486 : i32 to index
      %get3A_489 = tpu.vector_load %arg7[%get3A_488] {strides = array<i32>} : memref<2512xi32, #tpu.memory_space<vmem>>, vector<16xi32>,
      %gather3A_490 = tpu.vector_load_idx %arg5[%get3A_489] : memref<100000xf32, #tpu.memory_space<vmem>>[vector<16xi32>], vector<16xf32>,
      %get3A_491 = arith.index_cast %mul3A_486 : i32 to index
      %get3A_492 = tpu.vector_load %arg8[%get3A_491] {strides = array<i32>} : memref<2512xi32, #tpu.memory_space<vmem>>, vector<16xi32>,
      %gather3A_493 = tpu.vector_load_idx %arg5[%get3A_492] : memref<100000xf32, #tpu.memory_space<vmem>>[vector<16xi32>], vector<16xf32>,
      %add3A_494 = arith.addf %gather3A, %gather3A_490 : vector<16xf32>
      %add3A_495 = arith.addf %add3A_494, %gather3A_493 : vector<16xf32>
      %div3A_496 = arith.constant 3.000000e+00 : f32
      %div3A_497 = vector.broadcast %div3A_496 : f32 to vector<16xf32>
      %div3A_498 = arith.divf %add3A_495, %div3A_497 : vector<16xf32>
      %swap3A = arith.index_cast %mul3A_486 : i32 to index
      %swap3A_499 = tpu.vector_load %arg12[%swap3A] {strides = array<i32>} : memref<3136xf32, #tpu.memory_space<vmem>>, vector<16xf32>,
      tpu.vector_store %arg12[%swap3A], %div3A_498 {strides = array<i32>} : memref<3136xf32, #tpu.memory_space<vmem>>, vector<16xf32>,
      %scan3A_500 = arith.constant 0 : i32
      scf.yield %scan3A_500 : i32
    }
    %scan3A_413 = arith.constant 157 : i32
    %add3A_414 = arith.constant 15072 : i32
    %add3A_415 = arith.addi %min3A_51, %add3A_414 : i32
    %mul3A_416 = arith.constant 300000 : i32
    %mul3A_417 = arith.muli %min3A_33, %mul3A_416 : i32
    %add3A_418 = arith.constant 100000 : i32
    %add3A_419 = arith.addi %mul3A_417, %add3A_418 : i32
    %add3A_420 = arith.addi %add3A_419, %add3A_415 : i32
    %dma_start3A_421 = arith.constant 0 : i32
    %dma_start3A_422 = tpu.memref_slice %arg12[%dma_start3A_421] : memref<3136xf32, #tpu.memory_space<vmem>> -> memref<2512xf32, #tpu.memory_space<vmem>>
    %dma_start3A_423 = tpu.memref_slice %arg4[%add3A_420] : memref<900000xf32, #tpu.memory_space<hbm>> -> memref<2512xf32, #tpu.memory_space<hbm>>
    %dma_start3A_424 = tpu.memref_slice %arg4[%add3A_420] : memref<900000xf32, #tpu.memory_space<hbm>> -> memref<2512xf32, #tpu.memory_space<hbm>>
    %dma_start3A_425 = arith.constant 0 : i32
    %dma_start3A_426 = tpu.memref_slice %arg12[%dma_start3A_425] : memref<3136xf32, #tpu.memory_space<vmem>> -> memref<2512xf32, #tpu.memory_space<vmem>>
    tpu.enqueue_dma source(%dma_start3A_426 : memref<2512xf32, #tpu.memory_space<vmem>>) target(%dma_start3A_424 : memref<2512xf32, #tpu.memory_space<hbm>>) target_semaphore(%arg15 : memref<!tpu.dma_semaphore, #tpu.memory_space<semaphore_mem>>)
    %dma_wait3A_427 = arith.constant 0 : i32
    %dma_wait3A_428 = tpu.memref_slice %arg3[%dma_wait3A_427] : memref<600000xi32, #tpu.memory_space<hbm>> -> memref<2512xi32, #tpu.memory_space<hbm>>
    %dma_wait3A_429 = arith.constant 0 : i32
    %dma_wait3A_430 = tpu.memref_slice %arg3[%dma_wait3A_429] : memref<600000xi32, #tpu.memory_space<hbm>> -> memref<2512xi32, #tpu.memory_space<hbm>>
    tpu.wait_dma2 semaphore(%arg14 : memref<!tpu.dma_semaphore, #tpu.memory_space<semaphore_mem>>) src(%dma_wait3A_430 : memref<2512xi32, #tpu.memory_space<hbm>>) dst(%arg9 : memref<2512xi32, #tpu.memory_space<vmem>>)
    %dma_wait3A_431 = arith.constant 0 : i32
    %dma_wait3A_432 = tpu.memref_slice %arg3[%dma_wait3A_431] : memref<600000xi32, #tpu.memory_space<hbm>> -> memref<2512xi32, #tpu.memory_space<hbm>>
    %dma_wait3A_433 = arith.constant 0 : i32
    %dma_wait3A_434 = tpu.memref_slice %arg3[%dma_wait3A_433] : memref<600000xi32, #tpu.memory_space<hbm>> -> memref<2512xi32, #tpu.memory_space<hbm>>
    tpu.wait_dma2 semaphore(%arg14 : memref<!tpu.dma_semaphore, #tpu.memory_space<semaphore_mem>>) src(%dma_wait3A_434 : memref<2512xi32, #tpu.memory_space<hbm>>) dst(%arg10 : memref<2512xi32, #tpu.memory_space<vmem>>)
    %dma_wait3A_435 = arith.constant 0 : i32
    %dma_wait3A_436 = tpu.memref_slice %arg3[%dma_wait3A_435] : memref<600000xi32, #tpu.memory_space<hbm>> -> memref<2512xi32, #tpu.memory_space<hbm>>
    %dma_wait3A_437 = arith.constant 0 : i32
    %dma_wait3A_438 = tpu.memref_slice %arg3[%dma_wait3A_437] : memref<600000xi32, #tpu.memory_space<hbm>> -> memref<2512xi32, #tpu.memory_space<hbm>>
    tpu.wait_dma2 semaphore(%arg14 : memref<!tpu.dma_semaphore, #tpu.memory_space<semaphore_mem>>) src(%dma_wait3A_438 : memref<2512xi32, #tpu.memory_space<hbm>>) dst(%arg11 : memref<2512xi32, #tpu.memory_space<vmem>>)
    %dma_wait3A_439 = arith.constant 0 : i32
    %dma_wait3A_440 = tpu.memref_slice %arg13[%dma_wait3A_439] : memref<2512xf32, #tpu.memory_space<vmem>> -> memref<2512xf32, #tpu.memory_space<vmem>>
    %dma_wait3A_441 = arith.constant 0 : i32
    %dma_wait3A_442 = tpu.memref_slice %arg4[%dma_wait3A_441] : memref<900000xf32, #tpu.memory_space<hbm>> -> memref<2512xf32, #tpu.memory_space<hbm>>
    %dma_wait3A_443 = arith.constant 0 : i32
    %dma_wait3A_444 = tpu.memref_slice %arg4[%dma_wait3A_443] : memref<900000xf32, #tpu.memory_space<hbm>> -> memref<2512xf32, #tpu.memory_space<hbm>>
    %dma_wait3A_445 = arith.constant 0 : i32
    %dma_wait3A_446 = tpu.memref_slice %arg13[%dma_wait3A_445] : memref<2512xf32, #tpu.memory_space<vmem>> -> memref<2512xf32, #tpu.memory_space<vmem>>
    tpu.wait_dma2 semaphore(%arg15 : memref<!tpu.dma_semaphore, #tpu.memory_space<semaphore_mem>>) src(%dma_wait3A_446 : memref<2512xf32, #tpu.memory_space<vmem>>) dst(%dma_wait3A_444 : memref<2512xf32, #tpu.memory_space<hbm>>)
    %scan3A_447 = arith.constant 0 : i32
    %scan3A_448 = arith.constant 0 : i32
    %scan3A_449 = arith.constant 157 : i32
    %scan3A_450 = arith.addi %scan3A_448, %scan3A_449 : i32
    %scan3A_451 = arith.constant 1 : i32
    %scan3A_452 = scf.for %scan3A_483 = %scan3A_448 to %scan3A_450 step %scan3A_451 iter_args(%scan3A_484 = %scan3A_447) -> (i32)  : i32 {
      %mul3A_485 = arith.constant 16 : i32
      %mul3A_486 = arith.muli %scan3A_483, %mul3A_485 : i32
      %get3A = arith.index_cast %mul3A_486 : i32 to index
      %get3A_487 = tpu.vector_load %arg9[%get3A] {strides = array<i32>} : memref<2512xi32, #tpu.memory_space<vmem>>, vector<16xi32>,
      %gather3A = tpu.vector_load_idx %arg5[%get3A_487] : memref<100000xf32, #tpu.memory_space<vmem>>[vector<16xi32>], vector<16xf32>,
      %get3A_488 = arith.index_cast %mul3A_486 : i32 to index
      %get3A_489 = tpu.vector_load %arg10[%get3A_488] {strides = array<i32>} : memref<2512xi32, #tpu.memory_space<vmem>>, vector<16xi32>,
      %gather3A_490 = tpu.vector_load_idx %arg5[%get3A_489] : memref<100000xf32, #tpu.memory_space<vmem>>[vector<16xi32>], vector<16xf32>,
      %get3A_491 = arith.index_cast %mul3A_486 : i32 to index
      %get3A_492 = tpu.vector_load %arg11[%get3A_491] {strides = array<i32>} : memref<2512xi32, #tpu.memory_space<vmem>>, vector<16xi32>,
      %gather3A_493 = tpu.vector_load_idx %arg5[%get3A_492] : memref<100000xf32, #tpu.memory_space<vmem>>[vector<16xi32>], vector<16xf32>,
      %add3A_494 = arith.addf %gather3A, %gather3A_490 : vector<16xf32>
      %add3A_495 = arith.addf %add3A_494, %gather3A_493 : vector<16xf32>
      %div3A_496 = arith.constant 3.000000e+00 : f32
      %div3A_497 = vector.broadcast %div3A_496 : f32 to vector<16xf32>
      %div3A_498 = arith.divf %add3A_495, %div3A_497 : vector<16xf32>
      %swap3A = arith.index_cast %mul3A_486 : i32 to index
      %swap3A_499 = tpu.vector_load %arg13[%swap3A] {strides = array<i32>} : memref<2512xf32, #tpu.memory_space<vmem>>, vector<16xf32>,
      tpu.vector_store %arg13[%swap3A], %div3A_498 {strides = array<i32>} : memref<2512xf32, #tpu.memory_space<vmem>>, vector<16xf32>,
      %scan3A_500 = arith.constant 0 : i32
      scf.yield %scan3A_500 : i32
    }
    %scan3A_453 = arith.constant 157 : i32
    %add3A_454 = arith.constant 17584 : i32
    %add3A_455 = arith.addi %min3A_51, %add3A_454 : i32
    %mul3A_456 = arith.constant 300000 : i32
    %mul3A_457 = arith.muli %min3A_33, %mul3A_456 : i32
    %add3A_458 = arith.constant 100000 : i32
    %add3A_459 = arith.addi %mul3A_457, %add3A_458 : i32
    %add3A_460 = arith.addi %add3A_459, %add3A_455 : i32
    %dma_start3A_461 = arith.constant 0 : i32
    %dma_start3A_462 = tpu.memref_slice %arg13[%dma_start3A_461] : memref<2512xf32, #tpu.memory_space<vmem>> -> memref<2512xf32, #tpu.memory_space<vmem>>
    %dma_start3A_463 = tpu.memref_slice %arg4[%add3A_460] : memref<900000xf32, #tpu.memory_space<hbm>> -> memref<2512xf32, #tpu.memory_space<hbm>>
    %dma_start3A_464 = tpu.memref_slice %arg4[%add3A_460] : memref<900000xf32, #tpu.memory_space<hbm>> -> memref<2512xf32, #tpu.memory_space<hbm>>
    %dma_start3A_465 = arith.constant 0 : i32
    %dma_start3A_466 = tpu.memref_slice %arg13[%dma_start3A_465] : memref<2512xf32, #tpu.memory_space<vmem>> -> memref<2512xf32, #tpu.memory_space<vmem>>
    tpu.enqueue_dma source(%dma_start3A_466 : memref<2512xf32, #tpu.memory_space<vmem>>) target(%dma_start3A_464 : memref<2512xf32, #tpu.memory_space<hbm>>) target_semaphore(%arg15 : memref<!tpu.dma_semaphore, #tpu.memory_space<semaphore_mem>>)
    %dma_wait3A_467 = arith.constant 0 : i32
    %dma_wait3A_468 = tpu.memref_slice %arg12[%dma_wait3A_467] : memref<3136xf32, #tpu.memory_space<vmem>> -> memref<2512xf32, #tpu.memory_space<vmem>>
    %dma_wait3A_469 = arith.constant 0 : i32
    %dma_wait3A_470 = tpu.memref_slice %arg4[%dma_wait3A_469] : memref<900000xf32, #tpu.memory_space<hbm>> -> memref<2512xf32, #tpu.memory_space<hbm>>
    %dma_wait3A_471 = arith.constant 0 : i32
    %dma_wait3A_472 = tpu.memref_slice %arg4[%dma_wait3A_471] : memref<900000xf32, #tpu.memory_space<hbm>> -> memref<2512xf32, #tpu.memory_space<hbm>>
    %dma_wait3A_473 = arith.constant 0 : i32
    %dma_wait3A_474 = tpu.memref_slice %arg12[%dma_wait3A_473] : memref<3136xf32, #tpu.memory_space<vmem>> -> memref<2512xf32, #tpu.memory_space<vmem>>
    tpu.wait_dma2 semaphore(%arg15 : memref<!tpu.dma_semaphore, #tpu.memory_space<semaphore_mem>>) src(%dma_wait3A_474 : memref<2512xf32, #tpu.memory_space<vmem>>) dst(%dma_wait3A_472 : memref<2512xf32, #tpu.memory_space<hbm>>)
    %dma_wait3A_475 = arith.constant 0 : i32
    %dma_wait3A_476 = tpu.memref_slice %arg12[%dma_wait3A_475] : memref<3136xf32, #tpu.memory_space<vmem>> -> memref<2512xf32, #tpu.memory_space<vmem>>
    %dma_wait3A_477 = arith.constant 0 : i32
    %dma_wait3A_478 = tpu.memref_slice %arg4[%dma_wait3A_477] : memref<900000xf32, #tpu.memory_space<hbm>> -> memref<2512xf32, #tpu.memory_space<hbm>>
    %dma_wait3A_479 = arith.constant 0 : i32
    %dma_wait3A_480 = tpu.memref_slice %arg4[%dma_wait3A_479] : memref<900000xf32, #tpu.memory_space<hbm>> -> memref<2512xf32, #tpu.memory_space<hbm>>
    %dma_wait3A_481 = arith.constant 0 : i32
    %dma_wait3A_482 = tpu.memref_slice %arg12[%dma_wait3A_481] : memref<3136xf32, #tpu.memory_space<vmem>> -> memref<2512xf32, #tpu.memory_space<vmem>>
    tpu.wait_dma2 semaphore(%arg15 : memref<!tpu.dma_semaphore, #tpu.memory_space<semaphore_mem>>) src(%dma_wait3A_482 : memref<2512xf32, #tpu.memory_space<vmem>>) dst(%dma_wait3A_480 : memref<2512xf32, #tpu.memory_space<hbm>>)
    return
  }
}

#map = affine_map<(d0, d1) -> (0)>
module attributes {stable_mosaic.version = 14 : i64} {
  func.func @_faces_body(%arg0: i32, %arg1: i32, %arg2: memref<600000xi32, #tpu.memory_space<hbm>>, %arg3: memref<1800000xi32, #tpu.memory_space<hbm>>, %arg4: memref<6272xi32, #tpu.memory_space<vmem>>, %arg5: memref<6272xi32, #tpu.memory_space<vmem>>, %arg6: memref<6272xi32, #tpu.memory_space<vmem>>, %arg7: memref<6272xi32, #tpu.memory_space<vmem>>, %arg8: memref<!tpu.dma_semaphore, #tpu.memory_space<semaphore_mem>>) attributes {dimension_semantics = [#tpu.dimension_semantics<core_parallel>, #tpu.dimension_semantics<subcore_parallel>], iteration_bounds = array<i64: 2, 16>, scalar_prefetch = 0 : i64, scratch_operands = 5 : i64, tpu.core_type = #tpu.core_type<sc_vector_subcore>, window_params = [{transform_indices = #map}, {transform_indices = #map}]} {
    %mul3A = arith.constant 2 : i32
    %mul3A_0 = arith.muli %arg1, %mul3A : i32
    %add3A = arith.addi %mul3A_0, %arg0 : i32
    %mul3A_1 = arith.constant 6272 : i32
    %mul3A_2 = arith.muli %add3A, %mul3A_1 : i32
    %min3A = arith.constant 193728 : i32
    %min3A_3 = arith.minsi %mul3A_2, %min3A : i32
    %iota3A = tpu.iota {dimensions = array<i32: 0>} : vector<16xi32>
    %add3A_4 = arith.constant 0 : i32
    %add3A_5 = arith.addi %add3A_4, %min3A_3 : i32
    "tpu.region"() ({
      %run_scoped3A = tpu.sem_alloc : memref<!tpu.dma_semaphore, #tpu.memory_space<semaphore_mem>>
      %dma_start3A = tpu.memref_slice %arg2[%add3A_5] : memref<600000xi32, #tpu.memory_space<hbm>> -> memref<6272xi32, #tpu.memory_space<hbm>>
      %dma_start3A_34 = tpu.memref_slice %arg2[%add3A_5] : memref<600000xi32, #tpu.memory_space<hbm>> -> memref<6272xi32, #tpu.memory_space<hbm>>
      tpu.enqueue_dma source(%dma_start3A_34 : memref<6272xi32, #tpu.memory_space<hbm>>) target(%arg4 : memref<6272xi32, #tpu.memory_space<vmem>>) target_semaphore(%run_scoped3A : memref<!tpu.dma_semaphore, #tpu.memory_space<semaphore_mem>>)
      %dma_wait3A = tpu.memref_slice %arg2[%add3A_5] : memref<600000xi32, #tpu.memory_space<hbm>> -> memref<6272xi32, #tpu.memory_space<hbm>>
      %dma_wait3A_35 = tpu.memref_slice %arg2[%add3A_5] : memref<600000xi32, #tpu.memory_space<hbm>> -> memref<6272xi32, #tpu.memory_space<hbm>>
      tpu.wait_dma2 semaphore(%run_scoped3A : memref<!tpu.dma_semaphore, #tpu.memory_space<semaphore_mem>>) src(%dma_wait3A_35 : memref<6272xi32, #tpu.memory_space<hbm>>) dst(%arg4 : memref<6272xi32, #tpu.memory_space<vmem>>)
      tpu.yield
    }) : () -> ()
    %add3A_6 = arith.constant 200000 : i32
    %add3A_7 = arith.addi %add3A_6, %min3A_3 : i32
    "tpu.region"() ({
      %run_scoped3A = tpu.sem_alloc : memref<!tpu.dma_semaphore, #tpu.memory_space<semaphore_mem>>
      %dma_start3A = tpu.memref_slice %arg2[%add3A_7] : memref<600000xi32, #tpu.memory_space<hbm>> -> memref<6272xi32, #tpu.memory_space<hbm>>
      %dma_start3A_34 = tpu.memref_slice %arg2[%add3A_7] : memref<600000xi32, #tpu.memory_space<hbm>> -> memref<6272xi32, #tpu.memory_space<hbm>>
      tpu.enqueue_dma source(%dma_start3A_34 : memref<6272xi32, #tpu.memory_space<hbm>>) target(%arg5 : memref<6272xi32, #tpu.memory_space<vmem>>) target_semaphore(%run_scoped3A : memref<!tpu.dma_semaphore, #tpu.memory_space<semaphore_mem>>)
      %dma_wait3A = tpu.memref_slice %arg2[%add3A_7] : memref<600000xi32, #tpu.memory_space<hbm>> -> memref<6272xi32, #tpu.memory_space<hbm>>
      %dma_wait3A_35 = tpu.memref_slice %arg2[%add3A_7] : memref<600000xi32, #tpu.memory_space<hbm>> -> memref<6272xi32, #tpu.memory_space<hbm>>
      tpu.wait_dma2 semaphore(%run_scoped3A : memref<!tpu.dma_semaphore, #tpu.memory_space<semaphore_mem>>) src(%dma_wait3A_35 : memref<6272xi32, #tpu.memory_space<hbm>>) dst(%arg5 : memref<6272xi32, #tpu.memory_space<vmem>>)
      tpu.yield
    }) : () -> ()
    %add3A_8 = arith.constant 400000 : i32
    %add3A_9 = arith.addi %add3A_8, %min3A_3 : i32
    "tpu.region"() ({
      %run_scoped3A = tpu.sem_alloc : memref<!tpu.dma_semaphore, #tpu.memory_space<semaphore_mem>>
      %dma_start3A = tpu.memref_slice %arg2[%add3A_9] : memref<600000xi32, #tpu.memory_space<hbm>> -> memref<6272xi32, #tpu.memory_space<hbm>>
      %dma_start3A_34 = tpu.memref_slice %arg2[%add3A_9] : memref<600000xi32, #tpu.memory_space<hbm>> -> memref<6272xi32, #tpu.memory_space<hbm>>
      tpu.enqueue_dma source(%dma_start3A_34 : memref<6272xi32, #tpu.memory_space<hbm>>) target(%arg6 : memref<6272xi32, #tpu.memory_space<vmem>>) target_semaphore(%run_scoped3A : memref<!tpu.dma_semaphore, #tpu.memory_space<semaphore_mem>>)
      %dma_wait3A = tpu.memref_slice %arg2[%add3A_9] : memref<600000xi32, #tpu.memory_space<hbm>> -> memref<6272xi32, #tpu.memory_space<hbm>>
      %dma_wait3A_35 = tpu.memref_slice %arg2[%add3A_9] : memref<600000xi32, #tpu.memory_space<hbm>> -> memref<6272xi32, #tpu.memory_space<hbm>>
      tpu.wait_dma2 semaphore(%run_scoped3A : memref<!tpu.dma_semaphore, #tpu.memory_space<semaphore_mem>>) src(%dma_wait3A_35 : memref<6272xi32, #tpu.memory_space<hbm>>) dst(%arg6 : memref<6272xi32, #tpu.memory_space<vmem>>)
      tpu.yield
    }) : () -> ()
    %scan3A = arith.constant 0 : i32
    %scan3A_10 = arith.constant 0 : i32
    %scan3A_11 = arith.constant 392 : i32
    %scan3A_12 = arith.addi %scan3A_10, %scan3A_11 : i32
    %scan3A_13 = arith.constant 1 : i32
    %scan3A_14 = scf.for %scan3A_34 = %scan3A_10 to %scan3A_12 step %scan3A_13 iter_args(%scan3A_35 = %scan3A) -> (i32)  : i32 {
      %add3A_36 = arith.constant 100000 : i32
      %add3A_37 = arith.addi %add3A_36, %min3A_3 : i32
      %add3A_38 = vector.broadcast %add3A_37 : i32 to vector<16xi32>
      %add3A_39 = arith.addi %add3A_38, %iota3A : vector<16xi32>
      %mul3A_40 = arith.constant 16 : i32
      %mul3A_41 = arith.muli %scan3A_34, %mul3A_40 : i32
      %add3A_42 = vector.broadcast %mul3A_41 : i32 to vector<16xi32>
      %add3A_43 = arith.addi %add3A_39, %add3A_42 : vector<16xi32>
      %mul3A_44 = arith.constant 16 : i32
      %mul3A_45 = arith.muli %scan3A_34, %mul3A_44 : i32
      %swap3A = arith.index_cast %mul3A_45 : i32 to index
      %swap3A_46 = tpu.vector_load %arg7[%swap3A] {strides = array<i32>} : memref<6272xi32, #tpu.memory_space<vmem>>, vector<16xi32>,
      tpu.vector_store %arg7[%swap3A], %add3A_43 {strides = array<i32>} : memref<6272xi32, #tpu.memory_space<vmem>>, vector<16xi32>,
      %scan3A_47 = arith.constant 0 : i32
      scf.yield %scan3A_47 : i32
    }
    %scan3A_15 = arith.constant 392 : i32
    %add3A_16 = arith.constant 0 : i32
    %add3A_17 = arith.addi %add3A_16, %min3A_3 : i32
    "tpu.region"() ({
      %run_scoped3A = tpu.sem_alloc : memref<!tpu.dma_semaphore, #tpu.memory_space<semaphore_mem>>
      %dma_start3A = tpu.memref_slice %arg3[%add3A_17] : memref<1800000xi32, #tpu.memory_space<hbm>> -> memref<6272xi32, #tpu.memory_space<hbm>>
      %dma_start3A_34 = tpu.memref_slice %arg3[%add3A_17] : memref<1800000xi32, #tpu.memory_space<hbm>> -> memref<6272xi32, #tpu.memory_space<hbm>>
      tpu.enqueue_dma source(%arg4 : memref<6272xi32, #tpu.memory_space<vmem>>) target(%dma_start3A_34 : memref<6272xi32, #tpu.memory_space<hbm>>) target_semaphore(%run_scoped3A : memref<!tpu.dma_semaphore, #tpu.memory_space<semaphore_mem>>)
      %dma_wait3A = tpu.memref_slice %arg3[%add3A_17] : memref<1800000xi32, #tpu.memory_space<hbm>> -> memref<6272xi32, #tpu.memory_space<hbm>>
      %dma_wait3A_35 = tpu.memref_slice %arg3[%add3A_17] : memref<1800000xi32, #tpu.memory_space<hbm>> -> memref<6272xi32, #tpu.memory_space<hbm>>
      tpu.wait_dma2 semaphore(%run_scoped3A : memref<!tpu.dma_semaphore, #tpu.memory_space<semaphore_mem>>) src(%arg4 : memref<6272xi32, #tpu.memory_space<vmem>>) dst(%dma_wait3A_35 : memref<6272xi32, #tpu.memory_space<hbm>>)
      tpu.yield
    }) : () -> ()
    %add3A_18 = arith.constant 600000 : i32
    %add3A_19 = arith.addi %add3A_18, %add3A_17 : i32
    "tpu.region"() ({
      %run_scoped3A = tpu.sem_alloc : memref<!tpu.dma_semaphore, #tpu.memory_space<semaphore_mem>>
      %dma_start3A = tpu.memref_slice %arg3[%add3A_19] : memref<1800000xi32, #tpu.memory_space<hbm>> -> memref<6272xi32, #tpu.memory_space<hbm>>
      %dma_start3A_34 = tpu.memref_slice %arg3[%add3A_19] : memref<1800000xi32, #tpu.memory_space<hbm>> -> memref<6272xi32, #tpu.memory_space<hbm>>
      tpu.enqueue_dma source(%arg5 : memref<6272xi32, #tpu.memory_space<vmem>>) target(%dma_start3A_34 : memref<6272xi32, #tpu.memory_space<hbm>>) target_semaphore(%run_scoped3A : memref<!tpu.dma_semaphore, #tpu.memory_space<semaphore_mem>>)
      %dma_wait3A = tpu.memref_slice %arg3[%add3A_19] : memref<1800000xi32, #tpu.memory_space<hbm>> -> memref<6272xi32, #tpu.memory_space<hbm>>
      %dma_wait3A_35 = tpu.memref_slice %arg3[%add3A_19] : memref<1800000xi32, #tpu.memory_space<hbm>> -> memref<6272xi32, #tpu.memory_space<hbm>>
      tpu.wait_dma2 semaphore(%run_scoped3A : memref<!tpu.dma_semaphore, #tpu.memory_space<semaphore_mem>>) src(%arg5 : memref<6272xi32, #tpu.memory_space<vmem>>) dst(%dma_wait3A_35 : memref<6272xi32, #tpu.memory_space<hbm>>)
      tpu.yield
    }) : () -> ()
    %add3A_20 = arith.constant 1200000 : i32
    %add3A_21 = arith.addi %add3A_20, %add3A_17 : i32
    "tpu.region"() ({
      %run_scoped3A = tpu.sem_alloc : memref<!tpu.dma_semaphore, #tpu.memory_space<semaphore_mem>>
      %dma_start3A = tpu.memref_slice %arg3[%add3A_21] : memref<1800000xi32, #tpu.memory_space<hbm>> -> memref<6272xi32, #tpu.memory_space<hbm>>
      %dma_start3A_34 = tpu.memref_slice %arg3[%add3A_21] : memref<1800000xi32, #tpu.memory_space<hbm>> -> memref<6272xi32, #tpu.memory_space<hbm>>
      tpu.enqueue_dma source(%arg7 : memref<6272xi32, #tpu.memory_space<vmem>>) target(%dma_start3A_34 : memref<6272xi32, #tpu.memory_space<hbm>>) target_semaphore(%run_scoped3A : memref<!tpu.dma_semaphore, #tpu.memory_space<semaphore_mem>>)
      %dma_wait3A = tpu.memref_slice %arg3[%add3A_21] : memref<1800000xi32, #tpu.memory_space<hbm>> -> memref<6272xi32, #tpu.memory_space<hbm>>
      %dma_wait3A_35 = tpu.memref_slice %arg3[%add3A_21] : memref<1800000xi32, #tpu.memory_space<hbm>> -> memref<6272xi32, #tpu.memory_space<hbm>>
      tpu.wait_dma2 semaphore(%run_scoped3A : memref<!tpu.dma_semaphore, #tpu.memory_space<semaphore_mem>>) src(%arg7 : memref<6272xi32, #tpu.memory_space<vmem>>) dst(%dma_wait3A_35 : memref<6272xi32, #tpu.memory_space<hbm>>)
      tpu.yield
    }) : () -> ()
    %add3A_22 = arith.constant 200000 : i32
    %add3A_23 = arith.addi %add3A_22, %min3A_3 : i32
    "tpu.region"() ({
      %run_scoped3A = tpu.sem_alloc : memref<!tpu.dma_semaphore, #tpu.memory_space<semaphore_mem>>
      %dma_start3A = tpu.memref_slice %arg3[%add3A_23] : memref<1800000xi32, #tpu.memory_space<hbm>> -> memref<6272xi32, #tpu.memory_space<hbm>>
      %dma_start3A_34 = tpu.memref_slice %arg3[%add3A_23] : memref<1800000xi32, #tpu.memory_space<hbm>> -> memref<6272xi32, #tpu.memory_space<hbm>>
      tpu.enqueue_dma source(%arg5 : memref<6272xi32, #tpu.memory_space<vmem>>) target(%dma_start3A_34 : memref<6272xi32, #tpu.memory_space<hbm>>) target_semaphore(%run_scoped3A : memref<!tpu.dma_semaphore, #tpu.memory_space<semaphore_mem>>)
      %dma_wait3A = tpu.memref_slice %arg3[%add3A_23] : memref<1800000xi32, #tpu.memory_space<hbm>> -> memref<6272xi32, #tpu.memory_space<hbm>>
      %dma_wait3A_35 = tpu.memref_slice %arg3[%add3A_23] : memref<1800000xi32, #tpu.memory_space<hbm>> -> memref<6272xi32, #tpu.memory_space<hbm>>
      tpu.wait_dma2 semaphore(%run_scoped3A : memref<!tpu.dma_semaphore, #tpu.memory_space<semaphore_mem>>) src(%arg5 : memref<6272xi32, #tpu.memory_space<vmem>>) dst(%dma_wait3A_35 : memref<6272xi32, #tpu.memory_space<hbm>>)
      tpu.yield
    }) : () -> ()
    %add3A_24 = arith.constant 600000 : i32
    %add3A_25 = arith.addi %add3A_24, %add3A_23 : i32
    "tpu.region"() ({
      %run_scoped3A = tpu.sem_alloc : memref<!tpu.dma_semaphore, #tpu.memory_space<semaphore_mem>>
      %dma_start3A = tpu.memref_slice %arg3[%add3A_25] : memref<1800000xi32, #tpu.memory_space<hbm>> -> memref<6272xi32, #tpu.memory_space<hbm>>
      %dma_start3A_34 = tpu.memref_slice %arg3[%add3A_25] : memref<1800000xi32, #tpu.memory_space<hbm>> -> memref<6272xi32, #tpu.memory_space<hbm>>
      tpu.enqueue_dma source(%arg6 : memref<6272xi32, #tpu.memory_space<vmem>>) target(%dma_start3A_34 : memref<6272xi32, #tpu.memory_space<hbm>>) target_semaphore(%run_scoped3A : memref<!tpu.dma_semaphore, #tpu.memory_space<semaphore_mem>>)
      %dma_wait3A = tpu.memref_slice %arg3[%add3A_25] : memref<1800000xi32, #tpu.memory_space<hbm>> -> memref<6272xi32, #tpu.memory_space<hbm>>
      %dma_wait3A_35 = tpu.memref_slice %arg3[%add3A_25] : memref<1800000xi32, #tpu.memory_space<hbm>> -> memref<6272xi32, #tpu.memory_space<hbm>>
      tpu.wait_dma2 semaphore(%run_scoped3A : memref<!tpu.dma_semaphore, #tpu.memory_space<semaphore_mem>>) src(%arg6 : memref<6272xi32, #tpu.memory_space<vmem>>) dst(%dma_wait3A_35 : memref<6272xi32, #tpu.memory_space<hbm>>)
      tpu.yield
    }) : () -> ()
    %add3A_26 = arith.constant 1200000 : i32
    %add3A_27 = arith.addi %add3A_26, %add3A_23 : i32
    "tpu.region"() ({
      %run_scoped3A = tpu.sem_alloc : memref<!tpu.dma_semaphore, #tpu.memory_space<semaphore_mem>>
      %dma_start3A = tpu.memref_slice %arg3[%add3A_27] : memref<1800000xi32, #tpu.memory_space<hbm>> -> memref<6272xi32, #tpu.memory_space<hbm>>
      %dma_start3A_34 = tpu.memref_slice %arg3[%add3A_27] : memref<1800000xi32, #tpu.memory_space<hbm>> -> memref<6272xi32, #tpu.memory_space<hbm>>
      tpu.enqueue_dma source(%arg7 : memref<6272xi32, #tpu.memory_space<vmem>>) target(%dma_start3A_34 : memref<6272xi32, #tpu.memory_space<hbm>>) target_semaphore(%run_scoped3A : memref<!tpu.dma_semaphore, #tpu.memory_space<semaphore_mem>>)
      %dma_wait3A = tpu.memref_slice %arg3[%add3A_27] : memref<1800000xi32, #tpu.memory_space<hbm>> -> memref<6272xi32, #tpu.memory_space<hbm>>
      %dma_wait3A_35 = tpu.memref_slice %arg3[%add3A_27] : memref<1800000xi32, #tpu.memory_space<hbm>> -> memref<6272xi32, #tpu.memory_space<hbm>>
      tpu.wait_dma2 semaphore(%run_scoped3A : memref<!tpu.dma_semaphore, #tpu.memory_space<semaphore_mem>>) src(%arg7 : memref<6272xi32, #tpu.memory_space<vmem>>) dst(%dma_wait3A_35 : memref<6272xi32, #tpu.memory_space<hbm>>)
      tpu.yield
    }) : () -> ()
    %add3A_28 = arith.constant 400000 : i32
    %add3A_29 = arith.addi %add3A_28, %min3A_3 : i32
    "tpu.region"() ({
      %run_scoped3A = tpu.sem_alloc : memref<!tpu.dma_semaphore, #tpu.memory_space<semaphore_mem>>
      %dma_start3A = tpu.memref_slice %arg3[%add3A_29] : memref<1800000xi32, #tpu.memory_space<hbm>> -> memref<6272xi32, #tpu.memory_space<hbm>>
      %dma_start3A_34 = tpu.memref_slice %arg3[%add3A_29] : memref<1800000xi32, #tpu.memory_space<hbm>> -> memref<6272xi32, #tpu.memory_space<hbm>>
      tpu.enqueue_dma source(%arg6 : memref<6272xi32, #tpu.memory_space<vmem>>) target(%dma_start3A_34 : memref<6272xi32, #tpu.memory_space<hbm>>) target_semaphore(%run_scoped3A : memref<!tpu.dma_semaphore, #tpu.memory_space<semaphore_mem>>)
      %dma_wait3A = tpu.memref_slice %arg3[%add3A_29] : memref<1800000xi32, #tpu.memory_space<hbm>> -> memref<6272xi32, #tpu.memory_space<hbm>>
      %dma_wait3A_35 = tpu.memref_slice %arg3[%add3A_29] : memref<1800000xi32, #tpu.memory_space<hbm>> -> memref<6272xi32, #tpu.memory_space<hbm>>
      tpu.wait_dma2 semaphore(%run_scoped3A : memref<!tpu.dma_semaphore, #tpu.memory_space<semaphore_mem>>) src(%arg6 : memref<6272xi32, #tpu.memory_space<vmem>>) dst(%dma_wait3A_35 : memref<6272xi32, #tpu.memory_space<hbm>>)
      tpu.yield
    }) : () -> ()
    %add3A_30 = arith.constant 600000 : i32
    %add3A_31 = arith.addi %add3A_30, %add3A_29 : i32
    "tpu.region"() ({
      %run_scoped3A = tpu.sem_alloc : memref<!tpu.dma_semaphore, #tpu.memory_space<semaphore_mem>>
      %dma_start3A = tpu.memref_slice %arg3[%add3A_31] : memref<1800000xi32, #tpu.memory_space<hbm>> -> memref<6272xi32, #tpu.memory_space<hbm>>
      %dma_start3A_34 = tpu.memref_slice %arg3[%add3A_31] : memref<1800000xi32, #tpu.memory_space<hbm>> -> memref<6272xi32, #tpu.memory_space<hbm>>
      tpu.enqueue_dma source(%arg4 : memref<6272xi32, #tpu.memory_space<vmem>>) target(%dma_start3A_34 : memref<6272xi32, #tpu.memory_space<hbm>>) target_semaphore(%run_scoped3A : memref<!tpu.dma_semaphore, #tpu.memory_space<semaphore_mem>>)
      %dma_wait3A = tpu.memref_slice %arg3[%add3A_31] : memref<1800000xi32, #tpu.memory_space<hbm>> -> memref<6272xi32, #tpu.memory_space<hbm>>
      %dma_wait3A_35 = tpu.memref_slice %arg3[%add3A_31] : memref<1800000xi32, #tpu.memory_space<hbm>> -> memref<6272xi32, #tpu.memory_space<hbm>>
      tpu.wait_dma2 semaphore(%run_scoped3A : memref<!tpu.dma_semaphore, #tpu.memory_space<semaphore_mem>>) src(%arg4 : memref<6272xi32, #tpu.memory_space<vmem>>) dst(%dma_wait3A_35 : memref<6272xi32, #tpu.memory_space<hbm>>)
      tpu.yield
    }) : () -> ()
    %add3A_32 = arith.constant 1200000 : i32
    %add3A_33 = arith.addi %add3A_32, %add3A_29 : i32
    "tpu.region"() ({
      %run_scoped3A = tpu.sem_alloc : memref<!tpu.dma_semaphore, #tpu.memory_space<semaphore_mem>>
      %dma_start3A = tpu.memref_slice %arg3[%add3A_33] : memref<1800000xi32, #tpu.memory_space<hbm>> -> memref<6272xi32, #tpu.memory_space<hbm>>
      %dma_start3A_34 = tpu.memref_slice %arg3[%add3A_33] : memref<1800000xi32, #tpu.memory_space<hbm>> -> memref<6272xi32, #tpu.memory_space<hbm>>
      tpu.enqueue_dma source(%arg7 : memref<6272xi32, #tpu.memory_space<vmem>>) target(%dma_start3A_34 : memref<6272xi32, #tpu.memory_space<hbm>>) target_semaphore(%run_scoped3A : memref<!tpu.dma_semaphore, #tpu.memory_space<semaphore_mem>>)
      %dma_wait3A = tpu.memref_slice %arg3[%add3A_33] : memref<1800000xi32, #tpu.memory_space<hbm>> -> memref<6272xi32, #tpu.memory_space<hbm>>
      %dma_wait3A_35 = tpu.memref_slice %arg3[%add3A_33] : memref<1800000xi32, #tpu.memory_space<hbm>> -> memref<6272xi32, #tpu.memory_space<hbm>>
      tpu.wait_dma2 semaphore(%run_scoped3A : memref<!tpu.dma_semaphore, #tpu.memory_space<semaphore_mem>>) src(%arg7 : memref<6272xi32, #tpu.memory_space<vmem>>) dst(%dma_wait3A_35 : memref<6272xi32, #tpu.memory_space<hbm>>)
      tpu.yield
    }) : () -> ()
    return
  }
}

</mosaic_0001>

<sc_bundles>
// kernel: _upsample.4.cloned.1.call-start
scs
__scs_entry_jumppad:
0x0: {  	(pc) =	sbr.rel $0x88, $3  }
0x1: {  	(tag) =	ssettag $0x0;
	lr =	simm.s32 $0x1  }
0x2: {  	[smem:$0x3F9F] =	sst lr;
	_ =	strace $0xD0000000  }
0x3: {  	_ = 	snop  }
0x4: {  	_ = 	snop  }
0x5: {  	_ = 	snop  }
0x6: {  	_ = 	snop  }
0x7: {  	_ = 	snop  }
__scs_overlays_trampoline_lowered:
0x8: {  	[smem:$0x3FAE] =	sst s0  }
0x9: {  	[smem:$0x3FAF] =	sst s1  }
0xa: {  	[smem:$0x3FB0] =	sst s2  }
0xb: {  	[smem:$0x3FB1] =	sst s3  }
0xc: {  	[smem:$0x3FB2] =	sst s4  }
0xd: {  	[smem:$0x3FB3] =	sst s5  }
0xe: {  	[smem:$0x3FB4] =	sst s6  }
0xf: {  	[smem:$0x3FB5] =	sst s7  }
0x10: {  	[smem:$0x3FB6] =	sst s8  }
0x11: {  	[smem:$0x3FB7] =	sst s9;
	s0 =	simm.s32 @!p0 $0x0  }
0x12: {  	s1 =	sld [smem:$0x3F9D];
	s0 =	simm.s32 @p0 $0x1  }
0x13: {  	[smem:$0x3FB8] =	sst s0;
	s0 =	simm.s32 @!p1 $0x0  }
0x14: {  	s2 =	sld [smem:$0x3F9C];
	s0 =	simm.s32 @p1 $0x1  }
0x15: {  	[smem:$0x3FB9] =	sst s0;
	s0 =	simm.s32 @!p2 $0x0  }
0x16: {  	s3 =	sld [smem:$0x3FDB];
	s0 =	simm.s32 @p2 $0x1  }
0x17: {  	s4 =	simm.s32 $0x1BF5;
	[smem:$0x3FBB] =	sst s0  }
0x18: {  	s0 =	sld [smem:$0x3F9E];
	_ =	swait.ge [sflag:s4], $0x0  }
0x19: {  	s7 =	sld [smem:$0x3F9F]  }
0x1a: {  	s8 =	sadd.s32 $0xFFFFE003, lr  }
0x1b: {  	s9 =	sadd.s32 $0xFFFFFEF7, lr;
	s5 =	simm.s32 $0xFFFFFFFF;
	p2 =	slt.u32 s8, $0xFFFFF086  }
0x1c: {  	p1 =	slt.u32 s9, $0xF7A;
	s5 =	simm.s32 @!p2 $0x0  }
0x1d: {  	s5 =	simm.s32 @p1 $0x1;
	p0 =	seq.s32 s7, s2  }
0x1e: {  	s7 =	smul.u32 @!p0 $0xF7A, s2;
	p2 =	seq.s32 @!p0 s5, $0x0  }
0x1f: {  	s9 =	smul.u32 $0xF7A, s1;
	s8 =	simm.s32 @!p0 $0x1BF5;
	p2 =	por !p2, p0  }
0x20: {  	[sflag:s8] =	ssyncset.s32 @!p0 $0xFFFFF086;
	s6 =	sadd.s32 @!p0 s3, s7;
	s7 =	simm.s32 @!p0 $0x108  }
0x21: {  	s3 =	sadd.s32 s3, s9;
	s6 =	sadd.s32 @!p0 $0x88, s6;
	s7 =	simm.s32 @p2 $0x1082  }
0x22: {  	[simem:s7], [sflag:s8] =	dma.local @!p0 [hbm:s6], $0xF7A  }
0x23: {  	s9 =	sor.u32 $0xD0000000, s2;
	s6 =	simm.s32 $0x108;
	_ =	swait.ge @!p0 [sflag:s8], $0x0  }
0x24: {  	s3 =	sadd.s32 $0x88, s3;
	s6 =	simm.s32 @!p1 $0x1082;
	[sflag:s4] =	ssyncset.s32 $0xFFFFF086  }
0x25: {  	[simem:s6], [sflag:s4] =	dma.local [hbm:s3], $0xF7A  }
0x26: {  	[smem:$0x3F9F] =	sst s1;
	(tag) =	ssettag s2;
	_ =	strace s9  }
0x27: {  	s1 =	sld [smem:$0x3FAF]  }
0x28: {  	s2 =	sld [smem:$0x3FB0]  }
0x29: {  	s4 =	sld [smem:$0x3FB2]  }
0x2a: {  	p0 =	seq.s32 s5, $0x0;
	s5 =	sld [smem:$0x3FB3]  }
0x2b: {  	s6 =	sld [smem:$0x3FB4]  }
0x2c: {  	s7 =	sld [smem:$0x3FB5]  }
0x2d: {  	s3 =	simm.s32 $0x108;
	s8 =	sld [smem:$0x3FB6]  }
0x2e: {  	s3 =	simm.s32 @!p0 $0x1082;
	s9 =	sld [smem:$0x3FB7]  }
0x2f: {  	lr =	sadd.s32 s0, s3;
	s0 =	sld [smem:$0x3FAE]  }
0x30: {  	s3 =	sld [smem:$0x3FB1]  }
0x31: {  	[smem:$0x3FBA] =	sst s10  }
0x32: {  	s10 =	sld [smem:$0x3FB8];
	_ =	sdelay $0x3  }
0x33: {  	p0 =	seq.s32 s10, $0x1;
	s10 =	sld [smem:$0x3FBA];
	_ =	sdelay $0x3  }
0x34: {  	[smem:$0x3FBA] =	sst s10  }
0x35: {  	s10 =	sld [smem:$0x3FB9];
	_ =	sdelay $0x3  }
0x36: {  	p1 =	seq.s32 s10, $0x1;
	s10 =	sld [smem:$0x3FBA];
	_ =	sdelay $0x3  }
0x37: {  	[smem:$0x3FBA] =	sst s10  }
0x38: {  	s10 =	sld [smem:$0x3FBB]  }
0x39: {  	_ = 	snop;
	(pc) =	sbr.ind lr, $3  }
0x3a: {  	_ = 	snop  }
0x3b: {  	_ = 	snop  }
0x3c: {  	p2 =	seq.s32 s10, $0x1;
	s10 =	sld [smem:$0x3FBA]  }
0x3d: {  	_ =	shalt  }
0x3e: {  	_ =	shalt  }
0x3f: {  	_ =	shalt  }
0x40: {  	_ =	shalt  }
0x41: {  	_ =	shalt  }
0x42: {  	_ =	shalt  }
0x43: {  	_ =	shalt  }
0x44: {  	_ =	shalt  }
0x45: {  	_ =	shalt  }
0x46: {  	_ =	shalt  }
0x47: {  	_ =	shalt  }
0x48: {  	_ =	shalt  }
0x49: {  	_ =	shalt  }
0x4a: {  	_ =	shalt  }
0x4b: {  	_ =	shalt  }
0x4c: {  	_ =	shalt  }
0x4d: {  	_ =	shalt  }
0x4e: {  	_ =	shalt  }
0x4f: {  	_ =	shalt  }
0x50: {  	_ =	shalt  }
0x51: {  	_ =	shalt  }
0x52: {  	_ =	shalt  }
0x53: {  	_ =	shalt  }
0x54: {  	_ =	shalt  }
0x55: {  	_ =	shalt  }
0x56: {  	_ =	shalt  }
0x57: {  	_ =	shalt  }
0x58: {  	_ =	shalt  }
0x59: {  	_ =	shalt  }
0x5a: {  	_ =	shalt  }
0x5b: {  	_ =	shalt  }
0x5c: {  	_ =	shalt  }
0x5d: {  	_ =	shalt  }
0x5e: {  	_ =	shalt  }
0x5f: {  	_ =	shalt  }
0x60: {  	_ =	shalt  }
0x61: {  	_ =	shalt  }
0x62: {  	_ =	shalt  }
0x63: {  	_ =	shalt  }
0x64: {  	_ =	shalt  }
0x65: {  	_ =	shalt  }
0x66: {  	_ =	shalt  }
0x67: {  	_ =	shalt  }
0x68: {  	_ =	shalt  }
0x69: {  	_ =	shalt  }
0x6a: {  	_ =	shalt  }
0x6b: {  	_ =	shalt  }
0x6c: {  	_ =	shalt  }
0x6d: {  	_ =	shalt  }
0x6e: {  	_ =	shalt  }
0x6f: {  	_ =	shalt  }
0x70: {  	_ =	shalt  }
0x71: {  	_ =	shalt  }
0x72: {  	_ =	shalt  }
0x73: {  	_ =	shalt  }
0x74: {  	_ =	shalt  }
0x75: {  	_ =	shalt  }
0x76: {  	_ =	shalt  }
0x77: {  	_ =	shalt  }
0x78: {  	_ =	shalt  }
0x79: {  	_ =	shalt  }
0x7a: {  	_ =	shalt  }
0x7b: {  	_ =	shalt  }
0x7c: {  	_ =	shalt  }
0x7d: {  	_ =	shalt  }
0x7e: {  	_ =	shalt  }
0x7f: {  	_ =	shalt  }
0x80: {  	_ =	shalt  }
0x81: {  	_ =	shalt  }
0x82: {  	_ =	shalt  }
0x83: {  	_ =	shalt  }
0x84: {  	_ =	shalt  }
0x85: {  	_ =	shalt  }
0x86: {  	_ =	shalt  }
0x87: {  	_ =	shalt  }
.Lfunc_end0:
.L_simem_size_0:
called_computation_lowered:
.L_overlay_start_0:
0x88: {  	s2 =	sld [smem:$0x3FD9]  }
0x89: {  	s3 =	sld [smem:$0x3FFE];
	_ =	sdelay $0x1  }
0x8a: {  	s1 =	srdreg.scid  }
0x8b: {  	s0 =	sand.u32 $0x1, s1  }
0x8c: {  	s17 =	sshll.u32 s0, $0xA;
	s2 =	sadd.s32 s3, s2  }
0x8d: {  	s2 =	sadd.s32 s2, s17  }
0x8e: {  	[smem:$0x3FC6] =	sst s2  }
0x8f: {  	_ = 	snop  }
0x90: {  	s2 =	sld [smem:$0x3FC8];
	(tm) =	ssettm $0x1  }
0x91: {  	s18 =	sld [smem:$0x3FFB];
	_ =	sdelay $0x3  }
0x92: {  	_ =	strace s18  }
0x93: {  	s3 =	sld [smem:$0x3FFC];
	_ =	sdelay $0x3  }
0x94: {  	_ =	strace s3  }
0x95: {  	s3 =	sld [smem:$0x3FFD];
	_ =	sdelay $0x3  }
0x96: {  	_ =	strace s3  }
0x97: {  	_ =	strace $0x8FFFFFFF  }
0x98: {  	s19 =	sld [smem:$0x3FDB];
	_ =	sdelay $0x1  }
0x99: {  	s4 =	simm.s32 $_scs_section_size  }
0x9a: {  	s5 =	simm.s32 $_size__tile_overlayer_lowered;
	s6 =	simm.s32 $_tile_overlayer_lowered  }
0x9b: {  	s22 =	simm.s32 $0x1BFF;
	s21 =	sshll.u32 s6, $0x1;
	s3 =	sadd.s32 s4, s19  }
0x9c: {  	s7 =	simm.s32 $0x0;
	s20 =	sshll.u32 s5, $0x1;
	s5 =	sadd.s32 s21, s3  }
0x9d: {  	[timem:s7], [sflag:s22] =	dma.local [hbm:s5], s20  }
0x9e: {  	_ =	swait.ge [sflag:s22], s20  }
0x9f: {  	s4 =	ssub.s32 $0x0, s20;
	[sflag:s22] =	ssyncset.done $0x0  }
0xa0: {  	[sflag:s22] =	ssyncadd.s32 s4;
	_ =	sdelay $0x1  }
0xa1: {  	s23 =	simm.s32 $0x1B8B  }
0xa2: {  	_ =	swait.ge [sflag:s23], $0x1  }
0xa3: {  	[sflag:s23] =	ssyncset.done $0x0  }
0xa4: {  	s25 =	simm.s32 $0x1B8E;
	s24 =	sld [smem:$0x3FFE];
	[sflag:s23] =	ssyncadd.s32 $0xFFFFFFFF  }
0xa5: {  	s26 =	simm.s32 $execute0_lowered;
	[smem:$0x3FD2] =	sst s25  }
0xa6: {  	s5 =	sshll.u32 s26, $0x1;
	_ =	strace $0x80000046;
	[dreg:$0x1] =	wrdreg $0xFFFFFFFF  }
0xa7: {  	s28 =	simm.s32 $_size_execute0_lowered;
	s3 =	sadd.s32 s3, s5;
	[dreg:$0x0] =	wrdreg $0x0  }
0xa8: {  	s5 =	sshll.u32 s28, $0x1;
	[dreg:$0x2] =	wrdreg s3  }
0xa9: {  	[dreg:$0x3] =	wrdreg s5  }
0xaa: {  	[dreg:$0x4] =	wrdreg $0xC0  }
0xab: {  	_ =	task [dreg:s7], $0x5FFFF  }
0xac: {  	[dreg:$0x1] =	wrdreg $0xFFFFFFFF  }
0xad: {  	[dreg:$0x0] =	wrdreg $0x60  }
0xae: {  	[dreg:$0x2] =	wrdreg s2  }
0xaf: {  	[dreg:$0x3] =	wrdreg s24  }
0xb0: {  	[dreg:$0x4] =	wrdreg $0x9  }
0xb1: {  	_ =	task.clear_ibuf [dreg:s7], $0x5FFFF;
	_ =	strace $0x90000046  }
0xb2: {  	s29 =	simm.s32 $0x9;
	_ =	strace $0x80000048  }
0xb3: {  	_ =	swait.ge [sflag:s29], $0x1  }
0xb4: {  	[sflag:s29] =	ssyncadd.s32 $0xFFFFFFFF  }
0xb5: {  	_ =	strace $0x90000048  }
0xb6: {  	_ =	sfence  }
0xb7: {  	s30 =	sld [smem:$0x0];
	_ =	sdelay $0x2  }
0xb8: {  	s31 =	sshll.u32 s1, $0xD;
	s1 =	sshrl.u32 s1, $0x2  }
0xb9: {  	s3 =	sand.u32 $0x4000, s31;
	s1 =	sadd.s32 s1, s30  }
0xba: {  	s0 =	sor.u32 s3, s0;
	s1 =	sshll.u32 s1, $0x11  }
0xbb: {  	s0 =	sor.u32 s1, s0  }
0xbc: {  	s0 =	sadd.s32 $0x8F2B, s0  }
0xbd: {  	[sflag:s0] =	ssyncadd.remote.s32 $0x1  }
0xbe: {  	_ =	sfence.sel $0xFFFF  }
0xbf: {  	[dreg:$0x0] =	wrdreg $0xFFFFFFFF;
	(pc) =	sbr.abs _section_cstart, $3  }
0xc0: {  	[dreg:$0x1] =	wrdreg $0xFFFFFFFF  }
0xc1: {  	_ =	task.clear_ibuf [dreg:s7], $0x2FFFF;
	_ =	strace $0x9FFFFFFF  }
0xc2: {  	(tm) =	ssettm $0x7FFFFFFF  }
0xc3: {  	_ =	shalt  }
tec
execute0_lowered:
.L_overlay_start_1:
0x0: {  	(tag) =	ssettag $0x1  }
0x1: {  	s1 =	srdreg.scid  }
0x2: {  	s0 =	stileid.u32;
	s5 =	rddreg [dreg:$0x0]  }
0x3: {  	s4 =	rddreg [dreg:$0x1];
	s2 =	simm.s32 $0x0;
	s16 =	simm.s32 $0x1  }
0x4: {  	s17 =	simm.s32 $0x1880;
	s3 =	sand.u32 $0x1, s1;
	s31 =	sshll.u32 s0, $0x1  }
0x5: {  	s19 =	simm.s32 $0x4980;
	s20 =	simm.s32 $0x0;
	s6 =	sor.u32 s3, s31  }
0x6: {  	s1 =	rddreg [dreg:$0x2];
	s3 =	ssub.s32 $0x2, s3;
	s6 =	smul.u32 $0x1880, s6  }
0x7: {  	[smem:$0x7FF] =	sst s2;
	s12 =	sadd.s32 $0x800, s4;
	s7 =	sshrl.u32 s3, $0x1  }
0x8: {  	_ =	strace $0x80000047;
	s15 =	ssub.s32 s3, s7;
	s8 =	smin.u32 s6, $0x2F4C0  }
0x9: {  	s15 =	smax.u32 s15, $0x1;
	s6 =	sshrl.u32 s8, $0x3;
	s18 =	sadd.s32 $0x186A0, s8  }
0xa: {  	v0 =	vlaneseq.u32;
	s3 =	sadd.s32 s5, s6;
	s9 =	sadd.s32 $0x61A8, s6;
	s13 =	sadd.s32 $0xC350, s6  }
0xb: {  	s6 =	sadd.s32 s12, s6;
	v0 =	vor.u32 s18, v0;
	s18 =	simm.s32 $0x3100;
	s4 =	sadd.s32 s5, s9  }
0xc: {  	s5 =	sadd.s32 s5, s13;
	s7 =	sadd.s32 $0x124F8, s6;
	s8 =	sadd.s32 $0x249F0, s6  }
0xd: {  	s9 =	sadd.s32 s12, s9;
	s10 =	sadd.s32 $0x186A0, s6;
	s11 =	sadd.s32 $0x2AB98, s6  }
0xe: {  	s12 =	sadd.s32 s12, s13;
	s13 =	sadd.s32 $0x1E848, s6;
	s14 =	sadd.s32 $0x30D40, s6  }
.LBB2_1:
0xf: {  	[tilespmem:s2], [sflag:$0x1] =	stream.linear.gather [hbm4b:s3+s2], $0x1880, $0x38;
	[tilespmem:$0x6200] =	vst v63  }
0x10: {  	_ =	swait.ge [sflag:s16], $0x1880  }
0x11: {  	[sflag:s16] =	ssyncset.done $0x0  }
0x12: {  	[sflag:s16] =	ssyncadd.s32 $0xFFFFE780  }
0x13: {  	[tilespmem:s17], [sflag:$0x1] =	stream.linear.gather [hbm4b:s4+s2], $0x1880, $0x38;
	[tilespmem:$0x6200] =	vst v63  }
0x14: {  	_ =	swait.ge [sflag:s16], $0x1880  }
0x15: {  	[sflag:s16] =	ssyncset.done $0x0  }
0x16: {  	[sflag:s16] =	ssyncadd.s32 $0xFFFFE780  }
0x17: {  	[tilespmem:s18], [sflag:$0x1] =	stream.linear.gather [hbm4b:s5+s2], $0x1880, $0x38;
	[tilespmem:$0x6200] =	vst v63  }
0x18: {  	_ =	swait.ge [sflag:s16], $0x1880  }
0x19: {  	[sflag:s16] =	ssyncset.done $0x0  }
0x1a: {  	v1 =	vadd.s32 s2, v0;
	[sflag:s16] =	ssyncadd.s32 $0xFFFFE780  }
0x1b: {  	s21 =	simm.s32 $0x10;
	s22 =	simm.s32 $0x4980;
	[tilespmem:s19+$0x0] =	vst v1  }
.LBB2_2:
0x1c: {  	p0 =	sne.s32 s21, $0x1870  }
.Ltmp0:
0x1d: {  	_ = 	snop;
	(pc) =	sbr.rel @p0 .LBB2_2-.Ltmp0, $3  }
0x1e: {  	_ =	sdelay $0x1  }
0x1f: {  	v1 =	vadd.s32 s21, v0;
	s21 =	sadd.s32 $0x10, s21;
	s22 =	sadd.s32 $0x10, s22  }
0x20: {  	[tilespmem:s22+$0x0] =	vst v1  }
0x21: {  	[hbm4b:s6+s2] =	stream.linear.scatter [tilespmem:s2], [sflag:$0x1], $0x1880, $0x38;
	[tilespmem:$0x6200] =	vst v63  }
0x22: {  	_ =	swait.ge [sflag:s16], $0x1880  }
0x23: {  	[sflag:s16] =	ssyncset.done $0x0  }
0x24: {  	[sflag:s16] =	ssyncadd.s32 $0xFFFFE780  }
0x25: {  	[hbm4b:s7+s2] =	stream.linear.scatter [tilespmem:s17], [sflag:$0x1], $0x1880, $0x38;
	[tilespmem:$0x6200] =	vst v63  }
0x26: {  	_ =	swait.ge [sflag:s16], $0x1880  }
0x27: {  	[sflag:s16] =	ssyncset.done $0x0  }
0x28: {  	[sflag:s16] =	ssyncadd.s32 $0xFFFFE780  }
0x29: {  	[hbm4b:s8+s2] =	stream.linear.scatter [tilespmem:s19], [sflag:$0x1], $0x1880, $0x38;
	[tilespmem:$0x6200] =	vst v63  }
0x2a: {  	_ =	swait.ge [sflag:s16], $0x1880  }
0x2b: {  	[sflag:s16] =	ssyncset.done $0x0  }
0x2c: {  	[sflag:s16] =	ssyncadd.s32 $0xFFFFE780  }
0x2d: {  	[hbm4b:s9+s2] =	stream.linear.scatter [tilespmem:s17], [sflag:$0x1], $0x1880, $0x38;
	[tilespmem:$0x6200] =	vst v63  }
0x2e: {  	_ =	swait.ge [sflag:s16], $0x1880  }
0x2f: {  	[sflag:s16] =	ssyncset.done $0x0  }
0x30: {  	[sflag:s16] =	ssyncadd.s32 $0xFFFFE780  }
0x31: {  	[hbm4b:s10+s2] =	stream.linear.scatter [tilespmem:s18], [sflag:$0x1], $0x1880, $0x38;
	[tilespmem:$0x6200] =	vst v63  }
0x32: {  	_ =	swait.ge [sflag:s16], $0x1880  }
0x33: {  	[sflag:s16] =	ssyncset.done $0x0  }
0x34: {  	[sflag:s16] =	ssyncadd.s32 $0xFFFFE780  }
0x35: {  	[hbm4b:s11+s2] =	stream.linear.scatter [tilespmem:s19], [sflag:$0x1], $0x1880, $0x38;
	[tilespmem:$0x6200] =	vst v63  }
0x36: {  	_ =	swait.ge [sflag:s16], $0x1880  }
0x37: {  	[sflag:s16] =	ssyncset.done $0x0  }
0x38: {  	[sflag:s16] =	ssyncadd.s32 $0xFFFFE780  }
0x39: {  	[hbm4b:s12+s2] =	stream.linear.scatter [tilespmem:s18], [sflag:$0x1], $0x1880, $0x38;
	[tilespmem:$0x6200] =	vst v63  }
0x3a: {  	_ =	swait.ge [sflag:s16], $0x1880  }
0x3b: {  	[sflag:s16] =	ssyncset.done $0x0  }
0x3c: {  	[sflag:s16] =	ssyncadd.s32 $0xFFFFE780  }
0x3d: {  	[hbm4b:s13+s2] =	stream.linear.scatter [tilespmem:s2], [sflag:$0x1], $0x1880, $0x38;
	[tilespmem:$0x6200] =	vst v63  }
0x3e: {  	s20 =	sadd.s32 $0x1, s20;
	_ =	swait.ge [sflag:s16], $0x1880  }
0x3f: {  	p0 =	sne.s32 s20, s15;
	[sflag:s16] =	ssyncset.done $0x0  }
.Ltmp1:
0x40: {  	[sflag:s16] =	ssyncadd.s32 $0xFFFFE780;
	(pc) =	sbr.rel @p0 .LBB2_1-.Ltmp1, $4  }
0x41: {  	[hbm4b:s14+s2] =	stream.linear.scatter [tilespmem:s19], [sflag:$0x1], $0x1880, $0x38;
	[tilespmem:$0x6200] =	vst v63  }
0x42: {  	_ =	swait.ge [sflag:s16], $0x1880  }
0x43: {  	[sflag:s16] =	ssyncset.done $0x0  }
0x44: {  	[sflag:s16] =	ssyncadd.s32 $0xFFFFE780  }
0x45: {  	_ =	sfence.sel $0x180000  }
0x46: {  	[bflag:$0x0] =	sbarrier.arrive $0xFFFF  }
0x47: {  	p0 =	sne.s32 s0, $0x0;
	_ =	strace $0x90000047  }
0x48: {  	s0 =	sadd.s32 @!p0 $0x100000, s1;
	[bflag:$0x2] =	sbarrier.arrive $0xFFFF  }
0x49: {  	[sflag:s0] =	ssyncadd.tile.s32 @!p0 $0x1;
	_ =	shalt  }
.Lfunc_end2:
_tile_overlayer_lowered:
.L_overlay_start_2:
0x4a: {  	(tag) =	ssettag $0x2  }
0x4b: {  	s0 =	rddreg [dreg:$0x0];
	s2 =	stileid.u32  }
0x4c: {  	s1 =	rddreg [dreg:$0x1];
	p0 =	sne.s32 s2, $0x0  }
0x4d: {  	s3 =	rddreg [dreg:$0x2];
	[bflag:$0x3] =	sbarrier.arrive $0xFFFF;
	s2 =	simm.s32 @!p0 $0x1C01  }
0x4e: {  	[timem:s3], [sflag:s2] =	dma.local @!p0 [hbm:s0], s1  }
0x4f: {  	s0 =	simm.s32 @!p0 $0x1  }
0x50: {  	_ =	swait.ge @!p0 [sflag:s0], s1  }
0x51: {  	s1 =	ssub.s32 @!p0 $0x0, s1;
	[sflag:s0] =	ssyncset.done @!p0 $0x0  }
0x52: {  	[sflag:s0] =	ssyncadd.s32 @!p0 s1  }
0x53: {  	[bflag:$0x3] =	sbarrier.arrive $0xFFFF  }
0x54: {  	_ =	shalt  }

// kernel: _upsample.7.cloned.1.call-start
scs
__scs_entry_jumppad:
0x0: {  	(pc) =	sbr.rel $0x88, $3  }
0x1: {  	(tag) =	ssettag $0x0;
	lr =	simm.s32 $0x1  }
0x2: {  	[smem:$0x3F9F] =	sst lr;
	_ =	strace $0xD0000000  }
0x3: {  	_ = 	snop  }
0x4: {  	_ = 	snop  }
0x5: {  	_ = 	snop  }
0x6: {  	_ = 	snop  }
0x7: {  	_ = 	snop  }
__scs_overlays_trampoline_lowered:
0x8: {  	[smem:$0x3FAE] =	sst s0  }
0x9: {  	[smem:$0x3FAF] =	sst s1  }
0xa: {  	[smem:$0x3FB0] =	sst s2  }
0xb: {  	[smem:$0x3FB1] =	sst s3  }
0xc: {  	[smem:$0x3FB2] =	sst s4  }
0xd: {  	[smem:$0x3FB3] =	sst s5  }
0xe: {  	[smem:$0x3FB4] =	sst s6  }
0xf: {  	[smem:$0x3FB5] =	sst s7  }
0x10: {  	[smem:$0x3FB6] =	sst s8  }
0x11: {  	[smem:$0x3FB7] =	sst s9;
	s0 =	simm.s32 @!p0 $0x0  }
0x12: {  	s1 =	sld [smem:$0x3F9D];
	s0 =	simm.s32 @p0 $0x1  }
0x13: {  	[smem:$0x3FB8] =	sst s0;
	s0 =	simm.s32 @!p1 $0x0  }
0x14: {  	s2 =	sld [smem:$0x3F9C];
	s0 =	simm.s32 @p1 $0x1  }
0x15: {  	[smem:$0x3FB9] =	sst s0;
	s0 =	simm.s32 @!p2 $0x0  }
0x16: {  	s3 =	sld [smem:$0x3FDB];
	s0 =	simm.s32 @p2 $0x1  }
0x17: {  	s4 =	simm.s32 $0x1BF5;
	[smem:$0x3FBB] =	sst s0  }
0x18: {  	s0 =	sld [smem:$0x3F9E];
	_ =	swait.ge [sflag:s4], $0x0  }
0x19: {  	s7 =	sld [smem:$0x3F9F]  }
0x1a: {  	s8 =	sadd.s32 $0xFFFFE003, lr  }
0x1b: {  	s9 =	sadd.s32 $0xFFFFFEF7, lr;
	s5 =	simm.s32 $0xFFFFFFFF;
	p2 =	slt.u32 s8, $0xFFFFF086  }
0x1c: {  	p1 =	slt.u32 s9, $0xF7A;
	s5 =	simm.s32 @!p2 $0x0  }
0x1d: {  	s5 =	simm.s32 @p1 $0x1;
	p0 =	seq.s32 s7, s2  }
0x1e: {  	s7 =	smul.u32 @!p0 $0xF7A, s2;
	p2 =	seq.s32 @!p0 s5, $0x0  }
0x1f: {  	s9 =	smul.u32 $0xF7A, s1;
	s8 =	simm.s32 @!p0 $0x1BF5;
	p2 =	por !p2, p0  }
0x20: {  	[sflag:s8] =	ssyncset.s32 @!p0 $0xFFFFF086;
	s6 =	sadd.s32 @!p0 s3, s7;
	s7 =	simm.s32 @!p0 $0x108  }
0x21: {  	s3 =	sadd.s32 s3, s9;
	s6 =	sadd.s32 @!p0 $0x88, s6;
	s7 =	simm.s32 @p2 $0x1082  }
0x22: {  	[simem:s7], [sflag:s8] =	dma.local @!p0 [hbm:s6], $0xF7A  }
0x23: {  	s9 =	sor.u32 $0xD0000000, s2;
	s6 =	simm.s32 $0x108;
	_ =	swait.ge @!p0 [sflag:s8], $0x0  }
0x24: {  	s3 =	sadd.s32 $0x88, s3;
	s6 =	simm.s32 @!p1 $0x1082;
	[sflag:s4] =	ssyncset.s32 $0xFFFFF086  }
0x25: {  	[simem:s6], [sflag:s4] =	dma.local [hbm:s3], $0xF7A  }
0x26: {  	[smem:$0x3F9F] =	sst s1;
	(tag) =	ssettag s2;
	_ =	strace s9  }
0x27: {  	s1 =	sld [smem:$0x3FAF]  }
0x28: {  	s2 =	sld [smem:$0x3FB0]  }
0x29: {  	s4 =	sld [smem:$0x3FB2]  }
0x2a: {  	p0 =	seq.s32 s5, $0x0;
	s5 =	sld [smem:$0x3FB3]  }
0x2b: {  	s6 =	sld [smem:$0x3FB4]  }
0x2c: {  	s7 =	sld [smem:$0x3FB5]  }
0x2d: {  	s3 =	simm.s32 $0x108;
	s8 =	sld [smem:$0x3FB6]  }
0x2e: {  	s3 =	simm.s32 @!p0 $0x1082;
	s9 =	sld [smem:$0x3FB7]  }
0x2f: {  	lr =	sadd.s32 s0, s3;
	s0 =	sld [smem:$0x3FAE]  }
0x30: {  	s3 =	sld [smem:$0x3FB1]  }
0x31: {  	[smem:$0x3FBA] =	sst s10  }
0x32: {  	s10 =	sld [smem:$0x3FB8];
	_ =	sdelay $0x3  }
0x33: {  	p0 =	seq.s32 s10, $0x1;
	s10 =	sld [smem:$0x3FBA];
	_ =	sdelay $0x3  }
0x34: {  	[smem:$0x3FBA] =	sst s10  }
0x35: {  	s10 =	sld [smem:$0x3FB9];
	_ =	sdelay $0x3  }
0x36: {  	p1 =	seq.s32 s10, $0x1;
	s10 =	sld [smem:$0x3FBA];
	_ =	sdelay $0x3  }
0x37: {  	[smem:$0x3FBA] =	sst s10  }
0x38: {  	s10 =	sld [smem:$0x3FBB]  }
0x39: {  	_ = 	snop;
	(pc) =	sbr.ind lr, $3  }
0x3a: {  	_ = 	snop  }
0x3b: {  	_ = 	snop  }
0x3c: {  	p2 =	seq.s32 s10, $0x1;
	s10 =	sld [smem:$0x3FBA]  }
0x3d: {  	_ =	shalt  }
0x3e: {  	_ =	shalt  }
0x3f: {  	_ =	shalt  }
0x40: {  	_ =	shalt  }
0x41: {  	_ =	shalt  }
0x42: {  	_ =	shalt  }
0x43: {  	_ =	shalt  }
0x44: {  	_ =	shalt  }
0x45: {  	_ =	shalt  }
0x46: {  	_ =	shalt  }
0x47: {  	_ =	shalt  }
0x48: {  	_ =	shalt  }
0x49: {  	_ =	shalt  }
0x4a: {  	_ =	shalt  }
0x4b: {  	_ =	shalt  }
0x4c: {  	_ =	shalt  }
0x4d: {  	_ =	shalt  }
0x4e: {  	_ =	shalt  }
0x4f: {  	_ =	shalt  }
0x50: {  	_ =	shalt  }
0x51: {  	_ =	shalt  }
0x52: {  	_ =	shalt  }
0x53: {  	_ =	shalt  }
0x54: {  	_ =	shalt  }
0x55: {  	_ =	shalt  }
0x56: {  	_ =	shalt  }
0x57: {  	_ =	shalt  }
0x58: {  	_ =	shalt  }
0x59: {  	_ =	shalt  }
0x5a: {  	_ =	shalt  }
0x5b: {  	_ =	shalt  }
0x5c: {  	_ =	shalt  }
0x5d: {  	_ =	shalt  }
0x5e: {  	_ =	shalt  }
0x5f: {  	_ =	shalt  }
0x60: {  	_ =	shalt  }
0x61: {  	_ =	shalt  }
0x62: {  	_ =	shalt  }
0x63: {  	_ =	shalt  }
0x64: {  	_ =	shalt  }
0x65: {  	_ =	shalt  }
0x66: {  	_ =	shalt  }
0x67: {  	_ =	shalt  }
0x68: {  	_ =	shalt  }
0x69: {  	_ =	shalt  }
0x6a: {  	_ =	shalt  }
0x6b: {  	_ =	shalt  }
0x6c: {  	_ =	shalt  }
0x6d: {  	_ =	shalt  }
0x6e: {  	_ =	shalt  }
0x6f: {  	_ =	shalt  }
0x70: {  	_ =	shalt  }
0x71: {  	_ =	shalt  }
0x72: {  	_ =	shalt  }
0x73: {  	_ =	shalt  }
0x74: {  	_ =	shalt  }
0x75: {  	_ =	shalt  }
0x76: {  	_ =	shalt  }
0x77: {  	_ =	shalt  }
0x78: {  	_ =	shalt  }
0x79: {  	_ =	shalt  }
0x7a: {  	_ =	shalt  }
0x7b: {  	_ =	shalt  }
0x7c: {  	_ =	shalt  }
0x7d: {  	_ =	shalt  }
0x7e: {  	_ =	shalt  }
0x7f: {  	_ =	shalt  }
0x80: {  	_ =	shalt  }
0x81: {  	_ =	shalt  }
0x82: {  	_ =	shalt  }
0x83: {  	_ =	shalt  }
0x84: {  	_ =	shalt  }
0x85: {  	_ =	shalt  }
0x86: {  	_ =	shalt  }
0x87: {  	_ =	shalt  }
.Lfunc_end0:
.L_simem_size_0:
called_computation.1_lowered:
.L_overlay_start_0:
0x88: {  	s2 =	sld [smem:$0x3FD9]  }
0x89: {  	s3 =	sld [smem:$0x3FFE];
	_ =	sdelay $0x1  }
0x8a: {  	s1 =	srdreg.scid  }
0x8b: {  	s0 =	sand.u32 $0x1, s1  }
0x8c: {  	s17 =	sshll.u32 s0, $0xA;
	s2 =	sadd.s32 s3, s2  }
0x8d: {  	s2 =	sadd.s32 s2, s17  }
0x8e: {  	[smem:$0x3FC6] =	sst s2  }
0x8f: {  	_ = 	snop  }
0x90: {  	s18 =	sld [smem:$0x3FC9]  }
0x91: {  	s4 =	sld [smem:$0x3FC8];
	(tm) =	ssettm $0x1  }
0x92: {  	s19 =	sld [smem:$0x3FFB];
	_ =	sdelay $0x3  }
0x93: {  	_ =	strace s19  }
0x94: {  	s2 =	sld [smem:$0x3FFC];
	_ =	sdelay $0x3  }
0x95: {  	_ =	strace s2  }
0x96: {  	s2 =	sld [smem:$0x3FFD];
	_ =	sdelay $0x3  }
0x97: {  	_ =	strace s2  }
0x98: {  	_ =	strace $0x8FFFFFFF  }
0x99: {  	s20 =	sld [smem:$0x3FDB];
	_ =	sdelay $0x1  }
0x9a: {  	s5 =	simm.s32 $_scs_section_size  }
0x9b: {  	s6 =	simm.s32 $_size__tile_overlayer_lowered;
	s7 =	simm.s32 $_tile_overlayer_lowered  }
0x9c: {  	s8 =	simm.s32 $0x1BFF;
	s21 =	sshll.u32 s7, $0x1;
	s5 =	sadd.s32 s5, s20  }
0x9d: {  	s22 =	simm.s32 $0x0;
	s6 =	sshll.u32 s6, $0x1;
	s7 =	sadd.s32 s21, s5  }
0x9e: {  	[timem:s22], [sflag:s8] =	dma.local [hbm:s7], s6  }
0x9f: {  	_ =	swait.ge [sflag:s8], s6  }
0xa0: {  	s6 =	ssub.s32 $0x0, s6;
	[sflag:s8] =	ssyncset.done $0x0  }
0xa1: {  	[sflag:s8] =	ssyncadd.s32 s6;
	_ =	sdelay $0x1  }
0xa2: {  	s23 =	simm.s32 $0x1B8B  }
0xa3: {  	_ =	swait.ge [sflag:s23], $0x1  }
0xa4: {  	[sflag:s23] =	ssyncset.done $0x0  }
0xa5: {  	[sflag:s23] =	ssyncadd.s32 $0xFFFFFFFF  }
0xa6: {  	s6 =	sld [smem:$0x0]  }
0xa7: {  	s7 =	sand.u32 $0xFFFFFFFE, s1  }
0xa8: {  	p0 =	sne.s32 s1, s7  }
0xa9: {  	s7 =	sshll.u32 @p0 s7, $0xE  }
0xaa: {  	s7 =	sadd.s32 @p0 $0x11B8D, s7;
	s8 =	sshll.u32 @p0 s6, $0x11  }
0xab: {  	s7 =	sor.u32 @p0 s8, s7  }
0xac: {  	[sflag:s7] =	ssyncadd.remote.s32 @p0 $0x1;
	_ =	sdelay $0x1  }
0xad: {  	s7 =	simm.s32 @p0 $0x1B8D  }
0xae: {  	_ =	swait.eq @p0 [sflag:s7], $0x1  }
0xaf: {  	[sflag:s7] =	ssyncadd.s32 @p0 $0xFFFFFFFF  }
0xb0: {  	s8 =	sshll.u32 @!p0 s1, $0xE  }
0xb1: {  	s8 =	sor.u32 @!p0 $0x4000, s8;
	s7 =	simm.s32 @!p0 $0x1B8D  }
0xb2: {  	s6 =	sshll.u32 @!p0 s6, $0x11;
	s8 =	sadd.s32 @!p0 $0x11B8D, s8;
	_ =	swait.eq @!p0 [sflag:s7], $0x1  }
0xb3: {  	s6 =	sor.u32 @!p0 s6, s8;
	[sflag:s7] =	ssyncadd.s32 @!p0 $0xFFFFFFFF  }
0xb4: {  	s25 =	simm.s32 $0x1B8E;
	s24 =	sld [smem:$0x3FFE];
	[sflag:s6] =	ssyncadd.remote.s32 @!p0 $0x1  }
0xb5: {  	s26 =	simm.s32 $execute0_lowered;
	[smem:$0x3FD2] =	sst s25  }
0xb6: {  	s7 =	sshll.u32 s26, $0x1;
	_ =	strace $0x80000049;
	[dreg:$0x1] =	wrdreg $0xFFFFFFFF  }
0xb7: {  	s28 =	simm.s32 $_size_execute0_lowered;
	s5 =	sadd.s32 s5, s7;
	[dreg:$0x0] =	wrdreg $0x0  }
0xb8: {  	s7 =	sshll.u32 s28, $0x1;
	[dreg:$0x2] =	wrdreg s5  }
0xb9: {  	[dreg:$0x3] =	wrdreg s7  }
0xba: {  	[dreg:$0x4] =	wrdreg $0xC0  }
0xbb: {  	_ =	task [dreg:s22], $0x5FFFF  }
0xbc: {  	[dreg:$0x1] =	wrdreg $0xFFFFFFFF  }
0xbd: {  	[dreg:$0x0] =	wrdreg $0x60  }
0xbe: {  	[dreg:$0x2] =	wrdreg s18  }
0xbf: {  	[dreg:$0x3] =	wrdreg s4  }
0xc0: {  	[dreg:$0x4] =	wrdreg s24  }
0xc1: {  	[dreg:$0x5] =	wrdreg $0xA  }
0xc2: {  	_ =	task.clear_ibuf [dreg:s22], $0x6FFFF;
	_ =	strace $0x90000049  }
0xc3: {  	s29 =	simm.s32 $0xA;
	_ =	strace $0x8000004B  }
0xc4: {  	_ =	swait.ge [sflag:s29], $0x1  }
0xc5: {  	[sflag:s29] =	ssyncadd.s32 $0xFFFFFFFF  }
0xc6: {  	_ =	strace $0x9000004B  }
0xc7: {  	_ =	sfence  }
0xc8: {  	s30 =	sld [smem:$0x0];
	_ =	sdelay $0x2  }
0xc9: {  	s31 =	sshll.u32 s1, $0xD;
	s1 =	sshrl.u32 s1, $0x2  }
0xca: {  	s4 =	sand.u32 $0x4000, s31;
	s1 =	sadd.s32 s1, s30  }
0xcb: {  	s0 =	sor.u32 s4, s0;
	s1 =	sshll.u32 s1, $0x11  }
0xcc: {  	s0 =	sor.u32 s1, s0  }
0xcd: {  	s0 =	sadd.s32 $0x8F2B, s0  }
0xce: {  	[sflag:s0] =	ssyncadd.remote.s32 $0x1  }
0xcf: {  	_ =	sfence.sel $0xFFFF  }
0xd0: {  	[dreg:$0x0] =	wrdreg $0xFFFFFFFF;
	(pc) =	sbr.abs _section_cstart, $3  }
0xd1: {  	[dreg:$0x1] =	wrdreg $0xFFFFFFFF  }
0xd2: {  	_ =	task.clear_ibuf [dreg:s22], $0x2FFFF;
	_ =	strace $0x9FFFFFFF  }
0xd3: {  	(tm) =	ssettm $0x7FFFFFFF  }
tec
execute0_lowered:
.L_overlay_start_1:
0x0: {  	(tag) =	ssettag $0x1  }
0x1: {  	s0 =	srdreg.scid;
	s9 =	stileid.u32  }
0x2: {  	s0 =	sand.u32 $0x1, s0;
	s1 =	sshll.u32 s9, $0x1  }
0x3: {  	s3 =	rddreg [dreg:$0x0];
	s1 =	sor.u32 s0, s1  }
0x4: {  	s4 =	rddreg [dreg:$0x1];
	s5 =	smul.u32 $0x1A, s1  }
0x5: {  	s6 =	rddreg [dreg:$0x2];
	s2 =	simm.s32 $0x0;
	s9 =	smul.u32 $0x34, s9  }
0x6: {  	[smem:$0x7FF] =	sst s2;
	s7 =	smul.u32 $0xC40, s1;
	s5 =	sshrl.u32 s5, $0x8  }
0x7: {  	_ =	strace $0x8000004A;
	s22 =	sshrl.u32 s9, $0x8;
	s5 =	smul.u32 $0xA, s5  }
0x8: {  	s8 =	ssub.s32 $0x2, s0;
	s21 =	smin.u32 s7, $0x17A60;
	s7 =	smin.u32 s22, $0x2  }
0x9: {  	s0 =	sadd.s32 $0x37800, s6;
	s23 =	smul.u32 $0x30D4, s7;
	s1 =	ssub.s32 s1, s5  }
0xa: {  	s6 =	sshrl.u32 s21, $0x3;
	s7 =	smul.u32 $0x493E0, s7;
	s1 =	sand.u32 $0xFF, s1  }
0xb: {  	s20 =	sshrl.u32 s8, $0x1;
	s17 =	sadd.s32 s3, s6;
	s1 =	smul.u32 $0x4E80, s1  }
0xc: {  	s18 =	sadd.s32 s0, s6;
	s5 =	ssub.s32 s8, s20;
	s3 =	sadd.s32 s3, s23  }
0xd: {  	[dreg:$0x4] =	wrdreg s17;
	s30 =	smov.u32 s18;
	s1 =	smin.u32 s1, $0x2BEC0  }
0xe: {  	[dreg:$0x5] =	wrdreg s3;
	s3 =	sadd.s32 $0x186A0, s7;
	s9 =	sadd.s32 $0x9D0, s1  }
0xf: {  	s24 =	sshrl.u32 s1, $0x3;
	s28 =	sadd.s32 $0x13A0, s1;
	s29 =	sadd.s32 $0x1D70, s1  }
0x10: {  	s10 =	sadd.s32 $0x2740, s1;
	s20 =	sadd.s32 $0x3110, s1;
	s21 =	sadd.s32 $0x3AE0, s1  }
0x11: {  	s22 =	sadd.s32 $0x44B0, s1;
	s1 =	sadd.s32 s3, s1;
	s25 =	sshrl.u32 s9, $0x3  }
0x12: {  	s6 =	sadd.s32 s4, s24;
	s11 =	sshrl.u32 s28, $0x3;
	s12 =	sshrl.u32 s29, $0x3  }
0x13: {  	s13 =	sshrl.u32 s10, $0x3;
	s14 =	sshrl.u32 s20, $0x3;
	s15 =	sshrl.u32 s21, $0x3  }
0x14: {  	s24 =	sadd.s32 $0x30D4, s17;
	s7 =	sadd.s32 s3, s28;
	s8 =	sadd.s32 s3, s29  }
0x15: {  	s28 =	sadd.s32 s3, s20;
	s29 =	sadd.s32 s3, s21;
	s1 =	sshrl.u32 s1, $0x3  }
0x16: {  	s26 =	sadd.s32 s4, s25;
	s11 =	sadd.s32 s4, s11;
	s16 =	sadd.s32 s4, s12  }
0x17: {  	s19 =	sadd.s32 s4, s13;
	s14 =	sadd.s32 s4, s14;
	[dreg:$0xd] =	wrdreg s24  }
0x18: {  	s23 =	sadd.s32 s4, s15;
	s25 =	sadd.s32 s3, s9;
	[dreg:$0x6] =	wrdreg s26  }
0x19: {  	s13 =	sadd.s32 $0x927C, s18;
	s1 =	sadd.s32 s0, s1;
	[dreg:$0x7] =	wrdreg s11  }
0x1a: {  	s15 =	sshrl.u32 s7, $0x3;
	s21 =	sshrl.u32 s28, $0x3;
	[dreg:$0x8] =	wrdreg s16  }
0x1b: {  	s24 =	smax.u32 s5, $0x1;
	s28 =	sadd.s32 $0xC350, s6;
	[dreg:$0x9] =	wrdreg s19  }
0x1c: {  	s31 =	sadd.s32 $0xC48A, s6;
	s5 =	sadd.s32 $0x6556, s6;
	[dreg:$0xa] =	wrdreg s14  }
0x1d: {  	s7 =	sadd.s32 $0xC6FE, s6;
	s9 =	sadd.s32 $0xC838, s6;
	[dreg:$0xb] =	wrdreg s23  }
0x1e: {  	s12 =	sadd.s32 $0x6904, s6;
	s16 =	sshrl.u32 s22, $0x3;
	[dreg:$0xe] =	wrdreg s13  }
0x1f: {  	s26 =	sadd.s32 s3, s10;
	s3 =	sadd.s32 s3, s22;
	[dreg:$0xf] =	wrdreg s1  }
0x20: {  	s1 =	sadd.s32 s0, s15;
	s22 =	sshrl.u32 s29, $0x3;
	[dreg:$0x18] =	wrdreg s24  }
0x21: {  	s23 =	sadd.s32 $0x61A8, s17;
	[dreg:$0x1b] =	wrdreg s28;
	s29 =	sadd.s32 $0x62E2, s6  }
0x22: {  	s10 =	sadd.s32 $0x67CA, s6;
	s11 =	sadd.s32 $0xC972, s6;
	s13 =	sadd.s32 $0xCAAC, s6  }
0x23: {  	s15 =	sadd.s32 $0xCBE6, s6;
	s17 =	simm.s32 $0x186A0;
	s24 =	simm.s32 $0x2  }
0x24: {  	s4 =	sadd.s32 s4, s16;
	[dreg:$0x11] =	wrdreg s1;
	s16 =	sshrl.u32 s8, $0x3  }
0x25: {  	s19 =	sshrl.u32 s26, $0x3;
	s3 =	sshrl.u32 s3, $0x3;
	[dreg:$0x17] =	wrdreg s23  }
0x26: {  	v0 =	vimm.f32 $3.000000000e+00;
	s26 =	sadd.s32 $0x61A8, s6;
	[dreg:$0x1c] =	wrdreg s29;
	s8 =	sadd.s32 $0x6690, s6  }
0x27: {  	(erf) = vrcp.f32 v0;
	s23 =	simm.s32 $0x1CDC0;
	[dreg:$0xc] =	wrdreg s4;
	s4 =	sshrl.u32 s25, $0x3  }
0x28: {  	s1 =	sadd.s32 s0, s16;
	s20 =	sadd.s32 s0, s19;
	[dreg:$0x1a] =	wrdreg s26  }
0x29: {  	s25 =	sadd.s32 $0x124F8, s18;
	s16 =	simm.s32 $0x3;
	[dreg:$0x12] =	wrdreg s1  }
0x2a: {  	s18 =	simm.s32 $0x19A40;
	s19 =	simm.s32 $0x1A410;
	[dreg:$0x13] =	wrdreg s20  }
0x2b: {  	s14 =	sadd.s32 s0, s4;
	s1 =	sadd.s32 s0, s21;
	[dreg:$0x19] =	wrdreg s25  }
0x2c: {  	s4 =	simm.s32 $0x19070;
	s20 =	simm.s32 $0x1ADE0;
	[dreg:$0x10] =	wrdreg s14  }
0x2d: {  	s21 =	simm.s32 $0x1B7B0;
	s25 =	simm.s32 $0x0;
	[dreg:$0x14] =	wrdreg s1  }
0x2e: {  	s1 =	sadd.s32 s0, s22;
	s0 =	sadd.s32 s0, s3;
	s14 =	sadd.s32 $0x6A3E, s6  }
0x2f: {  	s3 =	simm.s32 $0x1C180;
	s22 =	simm.s32 $0x1;
	[dreg:$0x15] =	wrdreg s1  }
0x30: {  	v0 =	vpop (erf);
	[dreg:$0x16] =	wrdreg s0;
	s1 =	sadd.s32 $0x641C, s6;
	s0 =	sadd.s32 $0xC5C4, s6  }
.LBB2_1:
0x31: {  	s26 =	rddreg [dreg:$0x4]  }
0x32: {  	[tilespmem:s3], [sflag:$0x3] =	stream.linear.gather [hbm4b:s26+s2], $0xC40, $0x38;
	[tilespmem:$0x1D790] =	vst v63  }
0x33: {  	_ =	swait.ge [sflag:s16], $0xC40  }
0x34: {  	[sflag:s16] =	ssyncset.done $0x0  }
0x35: {  	[sflag:s16] =	ssyncadd.s32 $0xFFFFF3C0  }
0x36: {  	[hbm4b:s30+s2] =	stream.linear.scatter [tilespmem:s3], [sflag:$0x3], $0xC40, $0x38;
	[tilespmem:$0x1D790] =	vst v63  }
0x37: {  	_ =	swait.ge [sflag:s16], $0xC40  }
0x38: {  	[sflag:s16] =	ssyncset.done $0x0  }
0x39: {  	s26 =	rddreg [dreg:$0xd];
	[sflag:s16] =	ssyncadd.s32 $0xFFFFF3C0  }
0x3a: {  	[tilespmem:s3], [sflag:$0x3] =	stream.linear.gather [hbm4b:s26+s2], $0xC40, $0x38;
	[tilespmem:$0x1D790] =	vst v63  }
0x3b: {  	_ =	swait.ge [sflag:s16], $0xC40  }
0x3c: {  	[sflag:s16] =	ssyncset.done $0x0  }
0x3d: {  	s26 =	rddreg [dreg:$0xe];
	[sflag:s16] =	ssyncadd.s32 $0xFFFFF3C0  }
0x3e: {  	[hbm4b:s26+s2] =	stream.linear.scatter [tilespmem:s3], [sflag:$0x3], $0xC40, $0x38;
	[tilespmem:$0x1D790] =	vst v63  }
0x3f: {  	_ =	swait.ge [sflag:s16], $0xC40  }
0x40: {  	[sflag:s16] =	ssyncset.done $0x0  }
0x41: {  	s26 =	rddreg [dreg:$0x17];
	[sflag:s16] =	ssyncadd.s32 $0xFFFFF3C0  }
0x42: {  	[tilespmem:s3], [sflag:$0x3] =	stream.linear.gather [hbm4b:s26+s2], $0xC40, $0x38;
	[tilespmem:$0x1D790] =	vst v63  }
0x43: {  	_ =	swait.ge [sflag:s16], $0xC40  }
0x44: {  	[sflag:s16] =	ssyncset.done $0x0  }
0x45: {  	s26 =	rddreg [dreg:$0x19];
	[sflag:s16] =	ssyncadd.s32 $0xFFFFF3C0  }
0x46: {  	[hbm4b:s26+s2] =	stream.linear.scatter [tilespmem:s3], [sflag:$0x3], $0xC40, $0x38;
	[tilespmem:$0x1D790] =	vst v63  }
0x47: {  	_ =	swait.ge [sflag:s16], $0xC40  }
0x48: {  	[sflag:s16] =	ssyncset.done $0x0  }
0x49: {  	s26 =	rddreg [dreg:$0x5];
	[sflag:s16] =	ssyncadd.s32 $0xFFFFF3C0  }
0x4a: {  	[tilespmem:s2], [sflag:$0x3] =	stream.linear.gather [hbm4b:s26+s2], $0x186A0, $0x38;
	[tilespmem:$0x1D790] =	vst v63  }
0x4b: {  	_ =	swait.ge [sflag:s16], $0x186A0  }
0x4c: {  	[sflag:s16] =	ssyncset.done $0x0  }
0x4d: {  	[sflag:s16] =	ssyncadd.s32 $0xFFFE7960  }
0x4e: {  	[tilespmem:s17], [sflag:$0x1] =	stream.linear.gather [hbm4b:s6+s2], $0x9D0, $0x38;
	[tilespmem:$0x1D790] =	vst v63  }
0x4f: {  	s26 =	rddreg [dreg:$0x1a]  }
0x50: {  	[tilespmem:s4], [sflag:$0x1] =	stream.linear.gather [hbm4b:s26+s2], $0x9D0, $0x38;
	[tilespmem:$0x1D790] =	vst v63  }
0x51: {  	s26 =	rddreg [dreg:$0x1b]  }
0x52: {  	[tilespmem:s18], [sflag:$0x1] =	stream.linear.gather [hbm4b:s26+s2], $0x9D0, $0x38;
	[tilespmem:$0x1D790] =	vst v63  }
0x53: {  	s26 =	rddreg [dreg:$0x6]  }
0x54: {  	[tilespmem:s19], [sflag:$0x1] =	stream.linear.gather [hbm4b:s26+s2], $0x9D0, $0x38;
	[tilespmem:$0x1D790] =	vst v63  }
0x55: {  	s26 =	rddreg [dreg:$0x1c]  }
0x56: {  	[tilespmem:s20], [sflag:$0x1] =	stream.linear.gather [hbm4b:s26+s2], $0x9D0, $0x38;
	[tilespmem:$0x1D790] =	vst v63  }
0x57: {  	_ = 	snop  }
0x58: {  	[tilespmem:s21], [sflag:$0x1] =	stream.linear.gather [hbm4b:s31+s2], $0x9D0, $0x38;
	[tilespmem:$0x1D790] =	vst v63  }
0x59: {  	_ =	swait.ge [sflag:s22], $0x9D0  }
0x5a: {  	[sflag:s22] =	ssyncset.done $0x0  }
0x5b: {  	[sflag:s22] =	ssyncadd.s32 $0xFFFFF630  }
0x5c: {  	_ =	swait.ge [sflag:s22], $0x9D0  }
0x5d: {  	[sflag:s22] =	ssyncset.done $0x0  }
0x5e: {  	[sflag:s22] =	ssyncadd.s32 $0xFFFFF630  }
0x5f: {  	_ =	swait.ge [sflag:s22], $0x9D0  }
0x60: {  	[sflag:s22] =	ssyncset.done $0x0  }
0x61: {  	s26 =	simm.s32 $0x0;
	[sflag:s22] =	ssyncadd.s32 $0xFFFFF630  }
0x62: {  	v1 =	vld [tilespmem:s26+$0x19070]  }
0x63: {  	v3 =	vld [tilespmem:s26+$0x186A0];
	_ =	sdelay $0x1  }
0x64: {  	v5 =	vld [tilespmem:s26+$0x19A40];
	_ =	sdelay $0x4  }
0x65: {  	v2 =	vld.idx.msk [tilespmem:v1+s2+$0x0], $0xffff  }
0x66: {  	v4 =	vld.idx.msk [tilespmem:v3+s2+$0x0], $0xffff;
	_ =	sdelay $0x1  }
0x67: {  	v3 =	vld.idx.msk [tilespmem:v5+s2+$0x0], $0xffff  }
0x68: {  	s28 =	simm.s32 $0x10  }
0x69: {  	s29 =	simm.s32 $0x80;
	v1 =	vld [tilespmem:s28+$0x19070]  }
.LBB2_2:
0x6a: {  	p0 =	sne.s32 s29, $0x2700;
	v5 =	vld [tilespmem:s28+$0x186A0];
	v2 =	vadd.f32 v2, v4;
	_ =	sdelay $0x1  }
0x6b: {  	v6 =	vld [tilespmem:s28+$0x19A40];
	v2 =	vadd.f32 v3, v2;
	_ =	sdelay $0x1  }
0x6c: {  	v2 =	vmul.f32 v2, v0;
	_ =	sdelay $0x1  }
0x6d: {  	[tilespmem:s26+$0x1C180] =	vst v2;
	s26 =	smov.u32 s28  }
0x6e: {  	v2 =	vld.idx.msk [tilespmem:v1+s2+$0x0], $0xffff  }
0x6f: {  	v4 =	vld.idx.msk [tilespmem:v5+s2+$0x0], $0xffff  }
.Ltmp0:
0x70: {  	(pc) =	sbr.rel @p0 .LBB2_2-.Ltmp0, $3  }
0x71: {  	v3 =	vld.idx.msk [tilespmem:v6+s2+$0x0], $0xffff;
	_ =	sdelay $0x1  }
0x72: {  	s28 =	sshra.s32 s29, $0x2  }
0x73: {  	s29 =	sadd.s32 $0x40, s29;
	v1 =	vld [tilespmem:s28+$0x19070]  }
0x74: {  	_ = 	snop  }
0x75: {  	v5 =	vld [tilespmem:s28+$0x186A0];
	v2 =	vadd.f32 v2, v4;
	_ =	sdelay $0x1  }
0x76: {  	v4 =	vld [tilespmem:s28+$0x19A40];
	v2 =	vadd.f32 v3, v2;
	_ =	sdelay $0x1  }
0x77: {  	v2 =	vmul.f32 v2, v0;
	_ =	sdelay $0x1  }
0x78: {  	[tilespmem:s26+$0x1C180] =	vst v2  }
0x79: {  	v1 =	vld.idx.msk [tilespmem:v1+s2+$0x0], $0xffff  }
0x7a: {  	v2 =	vld.idx.msk [tilespmem:v5+s2+$0x0], $0xffff;
	_ =	sdelay $0x1  }
0x7b: {  	v3 =	vld.idx.msk [tilespmem:v4+s2+$0x0], $0xffff;
	_ =	sdelay $0x2  }
0x7c: {  	v1 =	vadd.f32 v1, v2;
	_ =	sdelay $0x1  }
0x7d: {  	v1 =	vadd.f32 v3, v1;
	_ =	sdelay $0x1  }
0x7e: {  	v1 =	vmul.f32 v1, v0;
	_ =	sdelay $0x1  }
0x7f: {  	s26 =	simm.s32 $0x0;
	[tilespmem:s28+$0x1C180] =	vst v1;
	s28 =	rddreg [dreg:$0xf]  }
0x80: {  	[hbm4b:s28+s26] =	stream.linear.scatter [tilespmem:s3], [sflag:$0x2], $0x9D0, $0x38;
	[tilespmem:$0x1D790] =	vst v63  }
0x81: {  	s28 =	rddreg [dreg:$0x7]  }
0x82: {  	[tilespmem:s17], [sflag:$0x1] =	stream.linear.gather [hbm4b:s28+s26], $0x9D0, $0x38;
	[tilespmem:$0x1D790] =	vst v63  }
0x83: {  	_ = 	snop  }
0x84: {  	[tilespmem:s4], [sflag:$0x1] =	stream.linear.gather [hbm4b:s1+s26], $0x9D0, $0x38;
	[tilespmem:$0x1D790] =	vst v63  }
0x85: {  	_ = 	snop  }
0x86: {  	[tilespmem:s18], [sflag:$0x1] =	stream.linear.gather [hbm4b:s0+s26], $0x9D0, $0x38;
	[tilespmem:$0x1D790] =	vst v63  }
0x87: {  	_ =	swait.ge [sflag:s22], $0x9D0  }
0x88: {  	[sflag:s22] =	ssyncset.done $0x0  }
0x89: {  	[sflag:s22] =	ssyncadd.s32 $0xFFFFF630  }
0x8a: {  	_ =	swait.ge [sflag:s22], $0x9D0  }
0x8b: {  	[sflag:s22] =	ssyncset.done $0x0  }
0x8c: {  	[sflag:s22] =	ssyncadd.s32 $0xFFFFF630  }
0x8d: {  	_ =	swait.ge [sflag:s22], $0x9D0  }
0x8e: {  	[sflag:s22] =	ssyncset.done $0x0  }
0x8f: {  	s26 =	simm.s32 $0x0;
	[sflag:s22] =	ssyncadd.s32 $0xFFFFF630  }
0x90: {  	v1 =	vld [tilespmem:s26+$0x1ADE0]  }
0x91: {  	v3 =	vld [tilespmem:s26+$0x1A410];
	_ =	sdelay $0x1  }
0x92: {  	v5 =	vld [tilespmem:s26+$0x1B7B0];
	_ =	sdelay $0x4  }
0x93: {  	v2 =	vld.idx.msk [tilespmem:v1+s2+$0x0], $0xffff  }
0x94: {  	v4 =	vld.idx.msk [tilespmem:v3+s2+$0x0], $0xffff;
	_ =	sdelay $0x1  }
0x95: {  	v3 =	vld.idx.msk [tilespmem:v5+s2+$0x0], $0xffff  }
0x96: {  	s28 =	simm.s32 $0x10  }
0x97: {  	s29 =	simm.s32 $0x80;
	v1 =	vld [tilespmem:s28+$0x1ADE0]  }
.LBB2_4:
0x98: {  	p0 =	sne.s32 s29, $0x2700;
	v5 =	vld [tilespmem:s28+$0x1A410];
	v2 =	vadd.f32 v2, v4;
	_ =	sdelay $0x1  }
0x99: {  	v6 =	vld [tilespmem:s28+$0x1B7B0];
	v2 =	vadd.f32 v3, v2;
	_ =	sdelay $0x1  }
0x9a: {  	v2 =	vmul.f32 v2, v0;
	_ =	sdelay $0x1  }
0x9b: {  	[tilespmem:s26+$0x1CDC0] =	vst v2;
	s26 =	smov.u32 s28  }
0x9c: {  	v2 =	vld.idx.msk [tilespmem:v1+s2+$0x0], $0xffff  }
0x9d: {  	v4 =	vld.idx.msk [tilespmem:v5+s2+$0x0], $0xffff  }
.Ltmp1:
0x9e: {  	(pc) =	sbr.rel @p0 .LBB2_4-.Ltmp1, $3  }
0x9f: {  	v3 =	vld.idx.msk [tilespmem:v6+s2+$0x0], $0xffff;
	_ =	sdelay $0x1  }
0xa0: {  	s28 =	sshra.s32 s29, $0x2  }
0xa1: {  	s29 =	sadd.s32 $0x40, s29;
	v1 =	vld [tilespmem:s28+$0x1ADE0]  }
0xa2: {  	_ = 	snop  }
0xa3: {  	v5 =	vld [tilespmem:s28+$0x1A410];
	v2 =	vadd.f32 v2, v4;
	_ =	sdelay $0x1  }
0xa4: {  	v4 =	vld [tilespmem:s28+$0x1B7B0];
	v2 =	vadd.f32 v3, v2;
	_ =	sdelay $0x1  }
0xa5: {  	v2 =	vmul.f32 v2, v0;
	_ =	sdelay $0x1  }
0xa6: {  	[tilespmem:s26+$0x1CDC0] =	vst v2  }
0xa7: {  	v1 =	vld.idx.msk [tilespmem:v1+s2+$0x0], $0xffff  }
0xa8: {  	v2 =	vld.idx.msk [tilespmem:v5+s2+$0x0], $0xffff;
	_ =	sdelay $0x1  }
0xa9: {  	v3 =	vld.idx.msk [tilespmem:v4+s2+$0x0], $0xffff;
	_ =	sdelay $0x2  }
0xaa: {  	v1 =	vadd.f32 v1, v2;
	_ =	sdelay $0x1  }
0xab: {  	v1 =	vadd.f32 v3, v1;
	_ =	sdelay $0x1  }
0xac: {  	v1 =	vmul.f32 v1, v0;
	_ =	sdelay $0x1  }
0xad: {  	s26 =	simm.s32 $0x0;
	[tilespmem:s28+$0x1CDC0] =	vst v1;
	s28 =	rddreg [dreg:$0x10]  }
0xae: {  	[hbm4b:s28+s26] =	stream.linear.scatter [tilespmem:s23], [sflag:$0x2], $0x9D0, $0x38;
	[tilespmem:$0x1D790] =	vst v63  }
0xaf: {  	s28 =	rddreg [dreg:$0x8]  }
0xb0: {  	[tilespmem:s19], [sflag:$0x1] =	stream.linear.gather [hbm4b:s28+s26], $0x9D0, $0x38;
	[tilespmem:$0x1D790] =	vst v63  }
0xb1: {  	_ = 	snop  }
0xb2: {  	[tilespmem:s20], [sflag:$0x1] =	stream.linear.gather [hbm4b:s5+s26], $0x9D0, $0x38;
	[tilespmem:$0x1D790] =	vst v63  }
0xb3: {  	_ = 	snop  }
0xb4: {  	[tilespmem:s21], [sflag:$0x1] =	stream.linear.gather [hbm4b:s7+s26], $0x9D0, $0x38;
	[tilespmem:$0x1D790] =	vst v63  }
0xb5: {  	_ =	swait.ge [sflag:s22], $0x9D0  }
0xb6: {  	[sflag:s22] =	ssyncset.done $0x0  }
0xb7: {  	[sflag:s22] =	ssyncadd.s32 $0xFFFFF630  }
0xb8: {  	_ =	swait.ge [sflag:s22], $0x9D0  }
0xb9: {  	[sflag:s22] =	ssyncset.done $0x0  }
0xba: {  	[sflag:s22] =	ssyncadd.s32 $0xFFFFF630  }
0xbb: {  	_ =	swait.ge [sflag:s22], $0x9D0  }
0xbc: {  	[sflag:s22] =	ssyncset.done $0x0  }
0xbd: {  	[sflag:s22] =	ssyncadd.s32 $0xFFFFF630  }
0xbe: {  	_ =	swait.ge [sflag:s24], $0x9D0  }
0xbf: {  	[sflag:s24] =	ssyncset.done $0x0  }
0xc0: {  	s26 =	simm.s32 $0x0;
	[sflag:s24] =	ssyncadd.s32 $0xFFFFF630  }
0xc1: {  	v1 =	vld [tilespmem:s26+$0x19070]  }
0xc2: {  	v3 =	vld [tilespmem:s26+$0x186A0];
	_ =	sdelay $0x1  }
0xc3: {  	v5 =	vld [tilespmem:s26+$0x19A40];
	_ =	sdelay $0x4  }
0xc4: {  	v2 =	vld.idx.msk [tilespmem:v1+s2+$0x0], $0xffff  }
0xc5: {  	v4 =	vld.idx.msk [tilespmem:v3+s2+$0x0], $0xffff;
	_ =	sdelay $0x1  }
0xc6: {  	v3 =	vld.idx.msk [tilespmem:v5+s2+$0x0], $0xffff  }
0xc7: {  	s28 =	simm.s32 $0x10  }
0xc8: {  	s29 =	simm.s32 $0x80;
	v1 =	vld [tilespmem:s28+$0x19070]  }
.LBB2_6:
0xc9: {  	p0 =	sne.s32 s29, $0x2700;
	v5 =	vld [tilespmem:s28+$0x186A0];
	v2 =	vadd.f32 v2, v4;
	_ =	sdelay $0x1  }
0xca: {  	v6 =	vld [tilespmem:s28+$0x19A40];
	v2 =	vadd.f32 v3, v2;
	_ =	sdelay $0x1  }
0xcb: {  	v2 =	vmul.f32 v2, v0;
	_ =	sdelay $0x1  }
0xcc: {  	[tilespmem:s26+$0x1C180] =	vst v2;
	s26 =	smov.u32 s28  }
0xcd: {  	v2 =	vld.idx.msk [tilespmem:v1+s2+$0x0], $0xffff  }
0xce: {  	v4 =	vld.idx.msk [tilespmem:v5+s2+$0x0], $0xffff  }
.Ltmp2:
0xcf: {  	(pc) =	sbr.rel @p0 .LBB2_6-.Ltmp2, $3  }
0xd0: {  	v3 =	vld.idx.msk [tilespmem:v6+s2+$0x0], $0xffff;
	_ =	sdelay $0x1  }
0xd1: {  	s28 =	sshra.s32 s29, $0x2  }
0xd2: {  	s29 =	sadd.s32 $0x40, s29;
	v1 =	vld [tilespmem:s28+$0x19070]  }
0xd3: {  	_ = 	snop  }
0xd4: {  	v5 =	vld [tilespmem:s28+$0x186A0];
	v2 =	vadd.f32 v2, v4;
	_ =	sdelay $0x1  }
0xd5: {  	v4 =	vld [tilespmem:s28+$0x19A40];
	v2 =	vadd.f32 v3, v2;
	_ =	sdelay $0x1  }
0xd6: {  	v2 =	vmul.f32 v2, v0;
	_ =	sdelay $0x1  }
0xd7: {  	[tilespmem:s26+$0x1C180] =	vst v2  }
0xd8: {  	v1 =	vld.idx.msk [tilespmem:v1+s2+$0x0], $0xffff  }
0xd9: {  	v2 =	vld.idx.msk [tilespmem:v5+s2+$0x0], $0xffff;
	_ =	sdelay $0x1  }
0xda: {  	v3 =	vld.idx.msk [tilespmem:v4+s2+$0x0], $0xffff;
	_ =	sdelay $0x2  }
0xdb: {  	v1 =	vadd.f32 v1, v2;
	_ =	sdelay $0x1  }
0xdc: {  	v1 =	vadd.f32 v3, v1;
	_ =	sdelay $0x1  }
0xdd: {  	v1 =	vmul.f32 v1, v0;
	_ =	sdelay $0x1  }
0xde: {  	s26 =	simm.s32 $0x0;
	[tilespmem:s28+$0x1C180] =	vst v1;
	s28 =	rddreg [dreg:$0x11]  }
0xdf: {  	[hbm4b:s28+s26] =	stream.linear.scatter [tilespmem:s3], [sflag:$0x2], $0x9D0, $0x38;
	[tilespmem:$0x1D790] =	vst v63  }
0xe0: {  	s28 =	rddreg [dreg:$0x9]  }
0xe1: {  	[tilespmem:s17], [sflag:$0x1] =	stream.linear.gather [hbm4b:s28+s26], $0x9D0, $0x38;
	[tilespmem:$0x1D790] =	vst v63  }
0xe2: {  	_ = 	snop  }
0xe3: {  	[tilespmem:s4], [sflag:$0x1] =	stream.linear.gather [hbm4b:s8+s26], $0x9D0, $0x38;
	[tilespmem:$0x1D790] =	vst v63  }
0xe4: {  	_ = 	snop  }
0xe5: {  	[tilespmem:s18], [sflag:$0x1] =	stream.linear.gather [hbm4b:s9+s26], $0x9D0, $0x38;
	[tilespmem:$0x1D790] =	vst v63  }
0xe6: {  	_ =	swait.ge [sflag:s22], $0x9D0  }
0xe7: {  	[sflag:s22] =	ssyncset.done $0x0  }
0xe8: {  	[sflag:s22] =	ssyncadd.s32 $0xFFFFF630  }
0xe9: {  	_ =	swait.ge [sflag:s22], $0x9D0  }
0xea: {  	[sflag:s22] =	ssyncset.done $0x0  }
0xeb: {  	[sflag:s22] =	ssyncadd.s32 $0xFFFFF630  }
0xec: {  	_ =	swait.ge [sflag:s22], $0x9D0  }
0xed: {  	[sflag:s22] =	ssyncset.done $0x0  }
0xee: {  	[sflag:s22] =	ssyncadd.s32 $0xFFFFF630  }
0xef: {  	_ =	swait.ge [sflag:s24], $0x9D0  }
0xf0: {  	[sflag:s24] =	ssyncset.done $0x0  }
0xf1: {  	s26 =	simm.s32 $0x0;
	[sflag:s24] =	ssyncadd.s32 $0xFFFFF630  }
0xf2: {  	v1 =	vld [tilespmem:s26+$0x1ADE0]  }
0xf3: {  	v3 =	vld [tilespmem:s26+$0x1A410];
	_ =	sdelay $0x1  }
0xf4: {  	v5 =	vld [tilespmem:s26+$0x1B7B0];
	_ =	sdelay $0x4  }
0xf5: {  	v2 =	vld.idx.msk [tilespmem:v1+s2+$0x0], $0xffff  }
0xf6: {  	v4 =	vld.idx.msk [tilespmem:v3+s2+$0x0], $0xffff;
	_ =	sdelay $0x1  }
0xf7: {  	v3 =	vld.idx.msk [tilespmem:v5+s2+$0x0], $0xffff  }
0xf8: {  	s28 =	simm.s32 $0x10  }
0xf9: {  	s29 =	simm.s32 $0x80;
	v1 =	vld [tilespmem:s28+$0x1ADE0]  }
.LBB2_8:
0xfa: {  	p0 =	sne.s32 s29, $0x2700;
	v5 =	vld [tilespmem:s28+$0x1A410];
	v2 =	vadd.f32 v2, v4;
	_ =	sdelay $0x1  }
0xfb: {  	v6 =	vld [tilespmem:s28+$0x1B7B0];
	v2 =	vadd.f32 v3, v2;
	_ =	sdelay $0x1  }
0xfc: {  	v2 =	vmul.f32 v2, v0;
	_ =	sdelay $0x1  }
0xfd: {  	[tilespmem:s26+$0x1CDC0] =	vst v2;
	s26 =	smov.u32 s28  }
0xfe: {  	v2 =	vld.idx.msk [tilespmem:v1+s2+$0x0], $0xffff  }
0xff: {  	v4 =	vld.idx.msk [tilespmem:v5+s2+$0x0], $0xffff  }
.Ltmp3:
0x100: {  	(pc) =	sbr.rel @p0 .LBB2_8-.Ltmp3, $3  }
0x101: {  	v3 =	vld.idx.msk [tilespmem:v6+s2+$0x0], $0xffff;
	_ =	sdelay $0x1  }
0x102: {  	s28 =	sshra.s32 s29, $0x2  }
0x103: {  	s29 =	sadd.s32 $0x40, s29;
	v1 =	vld [tilespmem:s28+$0x1ADE0]  }
0x104: {  	_ = 	snop  }
0x105: {  	v5 =	vld [tilespmem:s28+$0x1A410];
	v2 =	vadd.f32 v2, v4;
	_ =	sdelay $0x1  }
0x106: {  	v4 =	vld [tilespmem:s28+$0x1B7B0];
	v2 =	vadd.f32 v3, v2;
	_ =	sdelay $0x1  }
0x107: {  	v2 =	vmul.f32 v2, v0;
	_ =	sdelay $0x1  }
0x108: {  	[tilespmem:s26+$0x1CDC0] =	vst v2  }
0x109: {  	v1 =	vld.idx.msk [tilespmem:v1+s2+$0x0], $0xffff  }
0x10a: {  	v2 =	vld.idx.msk [tilespmem:v5+s2+$0x0], $0xffff;
	_ =	sdelay $0x1  }
0x10b: {  	v3 =	vld.idx.msk [tilespmem:v4+s2+$0x0], $0xffff;
	_ =	sdelay $0x2  }
0x10c: {  	v1 =	vadd.f32 v1, v2;
	_ =	sdelay $0x1  }
0x10d: {  	v1 =	vadd.f32 v3, v1;
	_ =	sdelay $0x1  }
0x10e: {  	v1 =	vmul.f32 v1, v0;
	_ =	sdelay $0x1  }
0x10f: {  	s26 =	simm.s32 $0x0;
	[tilespmem:s28+$0x1CDC0] =	vst v1;
	s28 =	rddreg [dreg:$0x12]  }
0x110: {  	[hbm4b:s28+s26] =	stream.linear.scatter [tilespmem:s23], [sflag:$0x2], $0x9D0, $0x38;
	[tilespmem:$0x1D790] =	vst v63  }
0x111: {  	s28 =	rddreg [dreg:$0xa]  }
0x112: {  	[tilespmem:s19], [sflag:$0x1] =	stream.linear.gather [hbm4b:s28+s26], $0x9D0, $0x38;
	[tilespmem:$0x1D790] =	vst v63  }
0x113: {  	_ = 	snop  }
0x114: {  	[tilespmem:s20], [sflag:$0x1] =	stream.linear.gather [hbm4b:s10+s26], $0x9D0, $0x38;
	[tilespmem:$0x1D790] =	vst v63  }
0x115: {  	_ = 	snop  }
0x116: {  	[tilespmem:s21], [sflag:$0x1] =	stream.linear.gather [hbm4b:s11+s26], $0x9D0, $0x38;
	[tilespmem:$0x1D790] =	vst v63  }
0x117: {  	_ =	swait.ge [sflag:s22], $0x9D0  }
0x118: {  	[sflag:s22] =	ssyncset.done $0x0  }
0x119: {  	[sflag:s22] =	ssyncadd.s32 $0xFFFFF630  }
0x11a: {  	_ =	swait.ge [sflag:s22], $0x9D0  }
0x11b: {  	[sflag:s22] =	ssyncset.done $0x0  }
0x11c: {  	[sflag:s22] =	ssyncadd.s32 $0xFFFFF630  }
0x11d: {  	_ =	swait.ge [sflag:s22], $0x9D0  }
0x11e: {  	[sflag:s22] =	ssyncset.done $0x0  }
0x11f: {  	[sflag:s22] =	ssyncadd.s32 $0xFFFFF630  }
0x120: {  	_ =	swait.ge [sflag:s24], $0x9D0  }
0x121: {  	[sflag:s24] =	ssyncset.done $0x0  }
0x122: {  	s26 =	simm.s32 $0x0;
	[sflag:s24] =	ssyncadd.s32 $0xFFFFF630  }
0x123: {  	v1 =	vld [tilespmem:s26+$0x19070]  }
0x124: {  	v3 =	vld [tilespmem:s26+$0x186A0];
	_ =	sdelay $0x1  }
0x125: {  	v5 =	vld [tilespmem:s26+$0x19A40];
	_ =	sdelay $0x4  }
0x126: {  	v2 =	vld.idx.msk [tilespmem:v1+s2+$0x0], $0xffff  }
0x127: {  	v4 =	vld.idx.msk [tilespmem:v3+s2+$0x0], $0xffff;
	_ =	sdelay $0x1  }
0x128: {  	v3 =	vld.idx.msk [tilespmem:v5+s2+$0x0], $0xffff  }
0x129: {  	s28 =	simm.s32 $0x10  }
0x12a: {  	s29 =	simm.s32 $0x80;
	v1 =	vld [tilespmem:s28+$0x19070]  }
.LBB2_10:
0x12b: {  	p0 =	sne.s32 s29, $0x2700;
	v5 =	vld [tilespmem:s28+$0x186A0];
	v2 =	vadd.f32 v2, v4;
	_ =	sdelay $0x1  }
0x12c: {  	v6 =	vld [tilespmem:s28+$0x19A40];
	v2 =	vadd.f32 v3, v2;
	_ =	sdelay $0x1  }
0x12d: {  	v2 =	vmul.f32 v2, v0;
	_ =	sdelay $0x1  }
0x12e: {  	[tilespmem:s26+$0x1C180] =	vst v2;
	s26 =	smov.u32 s28  }
0x12f: {  	v2 =	vld.idx.msk [tilespmem:v1+s2+$0x0], $0xffff  }
0x130: {  	v4 =	vld.idx.msk [tilespmem:v5+s2+$0x0], $0xffff  }
.Ltmp4:
0x131: {  	(pc) =	sbr.rel @p0 .LBB2_10-.Ltmp4, $3  }
0x132: {  	v3 =	vld.idx.msk [tilespmem:v6+s2+$0x0], $0xffff;
	_ =	sdelay $0x1  }
0x133: {  	s28 =	sshra.s32 s29, $0x2  }
0x134: {  	s29 =	sadd.s32 $0x40, s29;
	v1 =	vld [tilespmem:s28+$0x19070]  }
0x135: {  	_ = 	snop  }
0x136: {  	v5 =	vld [tilespmem:s28+$0x186A0];
	v2 =	vadd.f32 v2, v4;
	_ =	sdelay $0x1  }
0x137: {  	v4 =	vld [tilespmem:s28+$0x19A40];
	v2 =	vadd.f32 v3, v2;
	_ =	sdelay $0x1  }
0x138: {  	v2 =	vmul.f32 v2, v0;
	_ =	sdelay $0x1  }
0x139: {  	[tilespmem:s26+$0x1C180] =	vst v2  }
0x13a: {  	v1 =	vld.idx.msk [tilespmem:v1+s2+$0x0], $0xffff  }
0x13b: {  	v2 =	vld.idx.msk [tilespmem:v5+s2+$0x0], $0xffff;
	_ =	sdelay $0x1  }
0x13c: {  	v3 =	vld.idx.msk [tilespmem:v4+s2+$0x0], $0xffff;
	_ =	sdelay $0x2  }
0x13d: {  	v1 =	vadd.f32 v1, v2;
	_ =	sdelay $0x1  }
0x13e: {  	v1 =	vadd.f32 v3, v1;
	_ =	sdelay $0x1  }
0x13f: {  	v1 =	vmul.f32 v1, v0;
	_ =	sdelay $0x1  }
0x140: {  	s26 =	simm.s32 $0x0;
	[tilespmem:s28+$0x1C180] =	vst v1;
	s28 =	rddreg [dreg:$0x13]  }
0x141: {  	[hbm4b:s28+s26] =	stream.linear.scatter [tilespmem:s3], [sflag:$0x2], $0x9D0, $0x38;
	[tilespmem:$0x1D790] =	vst v63  }
0x142: {  	s28 =	rddreg [dreg:$0xb]  }
0x143: {  	[tilespmem:s17], [sflag:$0x1] =	stream.linear.gather [hbm4b:s28+s26], $0x9D0, $0x38;
	[tilespmem:$0x1D790] =	vst v63  }
0x144: {  	_ = 	snop  }
0x145: {  	[tilespmem:s4], [sflag:$0x1] =	stream.linear.gather [hbm4b:s12+s26], $0x9D0, $0x38;
	[tilespmem:$0x1D790] =	vst v63  }
0x146: {  	_ = 	snop  }
0x147: {  	[tilespmem:s18], [sflag:$0x1] =	stream.linear.gather [hbm4b:s13+s26], $0x9D0, $0x38;
	[tilespmem:$0x1D790] =	vst v63  }
0x148: {  	_ =	swait.ge [sflag:s22], $0x9D0  }
0x149: {  	[sflag:s22] =	ssyncset.done $0x0  }
0x14a: {  	[sflag:s22] =	ssyncadd.s32 $0xFFFFF630  }
0x14b: {  	_ =	swait.ge [sflag:s22], $0x9D0  }
0x14c: {  	[sflag:s22] =	ssyncset.done $0x0  }
0x14d: {  	[sflag:s22] =	ssyncadd.s32 $0xFFFFF630  }
0x14e: {  	_ =	swait.ge [sflag:s22], $0x9D0  }
0x14f: {  	[sflag:s22] =	ssyncset.done $0x0  }
0x150: {  	[sflag:s22] =	ssyncadd.s32 $0xFFFFF630  }
0x151: {  	_ =	swait.ge [sflag:s24], $0x9D0  }
0x152: {  	[sflag:s24] =	ssyncset.done $0x0  }
0x153: {  	s26 =	simm.s32 $0x0;
	[sflag:s24] =	ssyncadd.s32 $0xFFFFF630  }
0x154: {  	v1 =	vld [tilespmem:s26+$0x1ADE0]  }
0x155: {  	v3 =	vld [tilespmem:s26+$0x1A410];
	_ =	sdelay $0x1  }
0x156: {  	v5 =	vld [tilespmem:s26+$0x1B7B0];
	_ =	sdelay $0x4  }
0x157: {  	v2 =	vld.idx.msk [tilespmem:v1+s2+$0x0], $0xffff  }
0x158: {  	v4 =	vld.idx.msk [tilespmem:v3+s2+$0x0], $0xffff;
	_ =	sdelay $0x1  }
0x159: {  	v3 =	vld.idx.msk [tilespmem:v5+s2+$0x0], $0xffff  }
0x15a: {  	s28 =	simm.s32 $0x10  }
0x15b: {  	s29 =	simm.s32 $0x80;
	v1 =	vld [tilespmem:s28+$0x1ADE0]  }
.LBB2_12:
0x15c: {  	p0 =	sne.s32 s29, $0x2700;
	v5 =	vld [tilespmem:s28+$0x1A410];
	v2 =	vadd.f32 v2, v4;
	_ =	sdelay $0x1  }
0x15d: {  	v6 =	vld [tilespmem:s28+$0x1B7B0];
	v2 =	vadd.f32 v3, v2;
	_ =	sdelay $0x1  }
0x15e: {  	v2 =	vmul.f32 v2, v0;
	_ =	sdelay $0x1  }
0x15f: {  	[tilespmem:s26+$0x1CDC0] =	vst v2;
	s26 =	smov.u32 s28  }
0x160: {  	v2 =	vld.idx.msk [tilespmem:v1+s2+$0x0], $0xffff  }
0x161: {  	v4 =	vld.idx.msk [tilespmem:v5+s2+$0x0], $0xffff  }
.Ltmp5:
0x162: {  	(pc) =	sbr.rel @p0 .LBB2_12-.Ltmp5, $3  }
0x163: {  	v3 =	vld.idx.msk [tilespmem:v6+s2+$0x0], $0xffff;
	_ =	sdelay $0x1  }
0x164: {  	s28 =	sshra.s32 s29, $0x2  }
0x165: {  	s29 =	sadd.s32 $0x40, s29;
	v1 =	vld [tilespmem:s28+$0x1ADE0]  }
0x166: {  	_ = 	snop  }
0x167: {  	v5 =	vld [tilespmem:s28+$0x1A410];
	v2 =	vadd.f32 v2, v4;
	_ =	sdelay $0x1  }
0x168: {  	v4 =	vld [tilespmem:s28+$0x1B7B0];
	v2 =	vadd.f32 v3, v2;
	_ =	sdelay $0x1  }
0x169: {  	v2 =	vmul.f32 v2, v0;
	_ =	sdelay $0x1  }
0x16a: {  	[tilespmem:s26+$0x1CDC0] =	vst v2  }
0x16b: {  	v1 =	vld.idx.msk [tilespmem:v1+s2+$0x0], $0xffff  }
0x16c: {  	v2 =	vld.idx.msk [tilespmem:v5+s2+$0x0], $0xffff;
	_ =	sdelay $0x1  }
0x16d: {  	v3 =	vld.idx.msk [tilespmem:v4+s2+$0x0], $0xffff;
	_ =	sdelay $0x2  }
0x16e: {  	v1 =	vadd.f32 v1, v2;
	_ =	sdelay $0x1  }
0x16f: {  	v1 =	vadd.f32 v3, v1;
	_ =	sdelay $0x1  }
0x170: {  	v1 =	vmul.f32 v1, v0;
	_ =	sdelay $0x1  }
0x171: {  	s26 =	simm.s32 $0x0;
	[tilespmem:s28+$0x1CDC0] =	vst v1;
	s28 =	rddreg [dreg:$0x14]  }
0x172: {  	[hbm4b:s28+s26] =	stream.linear.scatter [tilespmem:s23], [sflag:$0x2], $0x9D0, $0x38;
	[tilespmem:$0x1D790] =	vst v63  }
0x173: {  	s28 =	rddreg [dreg:$0xc]  }
0x174: {  	[tilespmem:s19], [sflag:$0x1] =	stream.linear.gather [hbm4b:s28+s26], $0x9D0, $0x38;
	[tilespmem:$0x1D790] =	vst v63  }
0x175: {  	_ = 	snop  }
0x176: {  	[tilespmem:s20], [sflag:$0x1] =	stream.linear.gather [hbm4b:s14+s26], $0x9D0, $0x38;
	[tilespmem:$0x1D790] =	vst v63  }
0x177: {  	_ = 	snop  }
0x178: {  	[tilespmem:s21], [sflag:$0x1] =	stream.linear.gather [hbm4b:s15+s26], $0x9D0, $0x38;
	[tilespmem:$0x1D790] =	vst v63  }
0x179: {  	_ =	swait.ge [sflag:s22], $0x9D0  }
0x17a: {  	[sflag:s22] =	ssyncset.done $0x0  }
0x17b: {  	[sflag:s22] =	ssyncadd.s32 $0xFFFFF630  }
0x17c: {  	_ =	swait.ge [sflag:s22], $0x9D0  }
0x17d: {  	[sflag:s22] =	ssyncset.done $0x0  }
0x17e: {  	[sflag:s22] =	ssyncadd.s32 $0xFFFFF630  }
0x17f: {  	_ =	swait.ge [sflag:s22], $0x9D0  }
0x180: {  	[sflag:s22] =	ssyncset.done $0x0  }
0x181: {  	[sflag:s22] =	ssyncadd.s32 $0xFFFFF630  }
0x182: {  	_ =	swait.ge [sflag:s24], $0x9D0  }
0x183: {  	[sflag:s24] =	ssyncset.done $0x0  }
0x184: {  	s26 =	simm.s32 $0x0;
	[sflag:s24] =	ssyncadd.s32 $0xFFFFF630  }
0x185: {  	v1 =	vld [tilespmem:s26+$0x19070]  }
0x186: {  	v3 =	vld [tilespmem:s26+$0x186A0];
	_ =	sdelay $0x1  }
0x187: {  	v5 =	vld [tilespmem:s26+$0x19A40];
	_ =	sdelay $0x4  }
0x188: {  	v2 =	vld.idx.msk [tilespmem:v1+s2+$0x0], $0xffff  }
0x189: {  	v4 =	vld.idx.msk [tilespmem:v3+s2+$0x0], $0xffff;
	_ =	sdelay $0x1  }
0x18a: {  	v3 =	vld.idx.msk [tilespmem:v5+s2+$0x0], $0xffff  }
0x18b: {  	s28 =	simm.s32 $0x10  }
0x18c: {  	s29 =	simm.s32 $0x80;
	v1 =	vld [tilespmem:s28+$0x19070]  }
.LBB2_14:
0x18d: {  	p0 =	sne.s32 s29, $0x2700;
	v5 =	vld [tilespmem:s28+$0x186A0];
	v2 =	vadd.f32 v2, v4;
	_ =	sdelay $0x1  }
0x18e: {  	v6 =	vld [tilespmem:s28+$0x19A40];
	v2 =	vadd.f32 v3, v2;
	_ =	sdelay $0x1  }
0x18f: {  	v2 =	vmul.f32 v2, v0;
	_ =	sdelay $0x1  }
0x190: {  	[tilespmem:s26+$0x1C180] =	vst v2;
	s26 =	smov.u32 s28  }
0x191: {  	v2 =	vld.idx.msk [tilespmem:v1+s2+$0x0], $0xffff  }
0x192: {  	v4 =	vld.idx.msk [tilespmem:v5+s2+$0x0], $0xffff  }
.Ltmp6:
0x193: {  	(pc) =	sbr.rel @p0 .LBB2_14-.Ltmp6, $3  }
0x194: {  	v3 =	vld.idx.msk [tilespmem:v6+s2+$0x0], $0xffff;
	_ =	sdelay $0x1  }
0x195: {  	s28 =	sshra.s32 s29, $0x2  }
0x196: {  	s29 =	sadd.s32 $0x40, s29;
	v1 =	vld [tilespmem:s28+$0x19070]  }
0x197: {  	_ = 	snop  }
0x198: {  	v5 =	vld [tilespmem:s28+$0x186A0];
	v2 =	vadd.f32 v2, v4;
	_ =	sdelay $0x1  }
0x199: {  	v4 =	vld [tilespmem:s28+$0x19A40];
	v2 =	vadd.f32 v3, v2;
	_ =	sdelay $0x1  }
0x19a: {  	v2 =	vmul.f32 v2, v0;
	_ =	sdelay $0x1  }
0x19b: {  	[tilespmem:s26+$0x1C180] =	vst v2  }
0x19c: {  	v1 =	vld.idx.msk [tilespmem:v1+s2+$0x0], $0xffff  }
0x19d: {  	v2 =	vld.idx.msk [tilespmem:v5+s2+$0x0], $0xffff;
	_ =	sdelay $0x1  }
0x19e: {  	v3 =	vld.idx.msk [tilespmem:v4+s2+$0x0], $0xffff;
	_ =	sdelay $0x2  }
0x19f: {  	v1 =	vadd.f32 v1, v2;
	_ =	sdelay $0x1  }
0x1a0: {  	v1 =	vadd.f32 v3, v1;
	_ =	sdelay $0x1  }
0x1a1: {  	v1 =	vmul.f32 v1, v0;
	_ =	sdelay $0x1  }
0x1a2: {  	s26 =	simm.s32 $0x0;
	[tilespmem:s28+$0x1C180] =	vst v1;
	s28 =	rddreg [dreg:$0x15]  }
0x1a3: {  	[hbm4b:s28+s26] =	stream.linear.scatter [tilespmem:s3], [sflag:$0x2], $0x9D0, $0x38;
	[tilespmem:$0x1D790] =	vst v63  }
0x1a4: {  	_ =	swait.ge [sflag:s22], $0x9D0  }
0x1a5: {  	[sflag:s22] =	ssyncset.done $0x0  }
0x1a6: {  	[sflag:s22] =	ssyncadd.s32 $0xFFFFF630  }
0x1a7: {  	_ =	swait.ge [sflag:s22], $0x9D0  }
0x1a8: {  	[sflag:s22] =	ssyncset.done $0x0  }
0x1a9: {  	[sflag:s22] =	ssyncadd.s32 $0xFFFFF630  }
0x1aa: {  	_ =	swait.ge [sflag:s22], $0x9D0  }
0x1ab: {  	[sflag:s22] =	ssyncset.done $0x0  }
0x1ac: {  	[sflag:s22] =	ssyncadd.s32 $0xFFFFF630  }
0x1ad: {  	_ =	swait.ge [sflag:s24], $0x9D0  }
0x1ae: {  	[sflag:s24] =	ssyncset.done $0x0  }
0x1af: {  	s26 =	simm.s32 $0x0;
	[sflag:s24] =	ssyncadd.s32 $0xFFFFF630  }
0x1b0: {  	v1 =	vld [tilespmem:s26+$0x1ADE0]  }
0x1b1: {  	v3 =	vld [tilespmem:s26+$0x1A410];
	_ =	sdelay $0x1  }
0x1b2: {  	v5 =	vld [tilespmem:s26+$0x1B7B0];
	_ =	sdelay $0x4  }
0x1b3: {  	v2 =	vld.idx.msk [tilespmem:v1+s2+$0x0], $0xffff  }
0x1b4: {  	v4 =	vld.idx.msk [tilespmem:v3+s2+$0x0], $0xffff;
	_ =	sdelay $0x1  }
0x1b5: {  	v3 =	vld.idx.msk [tilespmem:v5+s2+$0x0], $0xffff  }
0x1b6: {  	s28 =	simm.s32 $0x10  }
0x1b7: {  	s29 =	simm.s32 $0x80;
	v1 =	vld [tilespmem:s28+$0x1ADE0]  }
.LBB2_16:
0x1b8: {  	p0 =	sne.s32 s29, $0x2700;
	v5 =	vld [tilespmem:s28+$0x1A410];
	v2 =	vadd.f32 v2, v4;
	_ =	sdelay $0x1  }
0x1b9: {  	v6 =	vld [tilespmem:s28+$0x1B7B0];
	v2 =	vadd.f32 v3, v2;
	_ =	sdelay $0x1  }
0x1ba: {  	v2 =	vmul.f32 v2, v0;
	_ =	sdelay $0x1  }
0x1bb: {  	[tilespmem:s26+$0x1CDC0] =	vst v2;
	s26 =	smov.u32 s28  }
0x1bc: {  	v2 =	vld.idx.msk [tilespmem:v1+s2+$0x0], $0xffff  }
0x1bd: {  	v4 =	vld.idx.msk [tilespmem:v5+s2+$0x0], $0xffff  }
.Ltmp7:
0x1be: {  	(pc) =	sbr.rel @p0 .LBB2_16-.Ltmp7, $3  }
0x1bf: {  	v3 =	vld.idx.msk [tilespmem:v6+s2+$0x0], $0xffff;
	_ =	sdelay $0x1  }
0x1c0: {  	s28 =	sshra.s32 s29, $0x2  }
0x1c1: {  	s29 =	sadd.s32 $0x40, s29;
	v1 =	vld [tilespmem:s28+$0x1ADE0]  }
0x1c2: {  	_ = 	snop  }
0x1c3: {  	v5 =	vld [tilespmem:s28+$0x1A410];
	v2 =	vadd.f32 v2, v4;
	_ =	sdelay $0x1  }
0x1c4: {  	v63 =	vld [tilespmem:s28+$0x1B7B0];
	v2 =	vadd.f32 v3, v2;
	_ =	sdelay $0x1  }
0x1c5: {  	v2 =	vmul.f32 v2, v0;
	_ =	sdelay $0x1  }
0x1c6: {  	[tilespmem:s26+$0x1CDC0] =	vst v2  }
0x1c7: {  	v1 =	vld.idx.msk [tilespmem:v1+s2+$0x0], $0xffff  }
0x1c8: {  	v2 =	vld.idx.msk [tilespmem:v5+s2+$0x0], $0xffff;
	_ =	sdelay $0x1  }
0x1c9: {  	v3 =	vld.idx.msk [tilespmem:v63+s2+$0x0], $0xffff;
	_ =	sdelay $0x2  }
0x1ca: {  	v1 =	vadd.f32 v1, v2;
	_ =	sdelay $0x1  }
0x1cb: {  	v1 =	vadd.f32 v3, v1;
	_ =	sdelay $0x1  }
0x1cc: {  	v1 =	vmul.f32 v1, v0;
	_ =	sdelay $0x1  }
0x1cd: {  	[tilespmem:s28+$0x1CDC0] =	vst v1;
	s28 =	rddreg [dreg:$0x16]  }
0x1ce: {  	[hbm4b:s28+s2] =	stream.linear.scatter [tilespmem:s23], [sflag:$0x2], $0x9D0, $0x38;
	[tilespmem:$0x1D790] =	vst v63  }
0x1cf: {  	_ =	swait.ge [sflag:s24], $0x9D0  }
0x1d0: {  	[sflag:s24] =	ssyncset.done $0x0  }
0x1d1: {  	[sflag:s24] =	ssyncadd.s32 $0xFFFFF630  }
0x1d2: {  	_ =	swait.ge [sflag:s24], $0x9D0  }
0x1d3: {  	s25 =	sadd.s32 $0x1, s25;
	s29 =	rddreg [dreg:$0x18]  }
0x1d4: {  	p0 =	sne.s32 s25, s29  }
.Ltmp8:
0x1d5: {  	_ = 	snop;
	(pc) =	sbr.rel @p0 .LBB2_1-.Ltmp8, $3  }
0x1d6: {  	_ =	sdelay $0x1  }
0x1d7: {  	[sflag:s24] =	ssyncset.done $0x0  }
0x1d8: {  	[sflag:s24] =	ssyncadd.s32 $0xFFFFF630  }
0x1d9: {  	_ =	sfence.sel $0x180000  }
0x1da: {  	[bflag:$0x0] =	sbarrier.arrive $0xFFFF  }
0x1db: {  	_ =	strace $0x9000004A  }
0x1dc: {  	s0 =	stileid.u32;
	[bflag:$0x2] =	sbarrier.arrive $0xFFFF  }
0x1dd: {  	p0 =	sne.s32 s0, $0x0;
	s0 =	rddreg [dreg:$0x3]  }
0x1de: {  	s0 =	sadd.s32 @!p0 $0x100000, s0  }
0x1df: {  	[sflag:s0] =	ssyncadd.tile.s32 @!p0 $0x1;
	_ =	shalt  }
.Lfunc_end2:
_tile_overlayer_lowered:
.L_overlay_start_2:
0x1e0: {  	(tag) =	ssettag $0x2  }
0x1e1: {  	s0 =	rddreg [dreg:$0x0];
	s2 =	stileid.u32  }
0x1e2: {  	s1 =	rddreg [dreg:$0x1];
	p0 =	sne.s32 s2, $0x0  }
0x1e3: {  	s3 =	rddreg [dreg:$0x2];
	[bflag:$0x3] =	sbarrier.arrive $0xFFFF;
	s2 =	simm.s32 @!p0 $0x1C03  }
0x1e4: {  	[timem:s3], [sflag:s2] =	dma.local @!p0 [hbm:s0], s1  }
0x1e5: {  	s0 =	simm.s32 @!p0 $0x3  }
0x1e6: {  	_ =	swait.ge @!p0 [sflag:s0], s1  }
0x1e7: {  	s1 =	ssub.s32 @!p0 $0x0, s1;
	[sflag:s0] =	ssyncset.done @!p0 $0x0  }
0x1e8: {  	[sflag:s0] =	ssyncadd.s32 @!p0 s1  }
0x1e9: {  	[bflag:$0x3] =	sbarrier.arrive $0xFFFF  }
0x1ea: {  	_ =	shalt  }

</sc_bundles>
